<compile_context>
chip_gen: v7x
topology: tpu7x:2x2x1
jax: 0.10.2.dev20260603
libtpu: 0.0.44.dev20260713+nightly
codegen_flags: <defaults>
</compile_context>

<pallas_src>
import jax
import jax.numpy as jnp
from jax import lax
from jax.experimental import pallas as pl
from jax.experimental.pallas import tpu as pltpu
from jax.experimental.pallas import tpu_sc as plsc

B = 4096
FIELD = 26
MAXF = 20
EMB = 32
S = B * FIELD
NC, NS = 2, 16
NW = NC * NS
SEGS_PER_W = S // NW
CHUNK = 64
NCHUNK = SEGS_PER_W // CHUNK
IDS_PER_CHUNK = CHUNK * MAXF
IDX_ROWS = IDS_PER_CHUNK // 128
GATHER_ROWS = 64


ROWS_BYTES = IDS_PER_CHUNK * EMB * 4


def _sc_body(table_hbm, ids_hbm, lens_hbm, out_hbm,
             idx0, idx1, rows0, rows1, lens0, lens1, recip0, recip1,
             out_v, sem0, sem1, semi0, semi1):
    wid = lax.axis_index("s") * NC + lax.axis_index("c")
    seg0 = wid * SEGS_PER_W

    idx_b = (idx0, idx1)
    rows_b = (rows0, rows1)
    lens_b = (lens0, lens1)
    recip_b = (recip0, recip1)
    sem_b = (sem0, sem1)
    semi_b = (semi0, semi1)

    def ids_start(c, b):
        seg_base = seg0 + c * CHUNK
        pltpu.async_copy(ids_hbm.at[pl.ds(seg_base * MAXF, IDS_PER_CHUNK)],
                         idx_b[b], semi_b[b])

    def ids_drain(b):
        pltpu.make_async_copy(
            ids_hbm.at[pl.ds(0, IDS_PER_CHUNK)], idx_b[b], semi_b[b]).wait()

    def fire_gathers(b):
        for j in range(IDX_ROWS):
            pltpu.async_copy(
                table_hbm.at[idx_b[b].at[pl.ds(j * 128, 128)]],
                rows_b[b].at[pl.ds(j * 128, 128)],
                sem_b[b])

    def rows_drain(b):
        pltpu.make_async_copy(
            out_hbm.at[pl.ds(0, IDS_PER_CHUNK)], rows_b[b], sem_b[b]).wait()

    def stage_lens(c, b):
        seg_base = seg0 + c * CHUNK
        pltpu.sync_copy(lens_hbm.at[pl.ds(seg_base, CHUNK)], lens_b[b])
        for g in range(CHUNK // 16):
            lv = lens_b[b][pl.ds(g * 16, 16)].astype(jnp.float32)
            recip_b[b][pl.ds(g * 16, 16)] = 1.0 / lv

    def compute(c, b):
        seg_base = seg0 + c * CHUNK
        rows_v = rows_b[b]
        recip_v = recip_b[b]

        def seg_body(s, _):
            r0 = s * MAXF
            acc0 = rows_v[r0, pl.ds(0, 16)]
            acc1 = rows_v[r0, pl.ds(16, 16)]
            for j in range(1, MAXF):
                acc0 = acc0 + rows_v[r0 + j, pl.ds(0, 16)]
                acc1 = acc1 + rows_v[r0 + j, pl.ds(16, 16)]
            scale = plsc.load_gather(recip_v, [jnp.full((16,), s, jnp.int32)])
            out_v[s, pl.ds(0, 16)] = acc0 * scale
            out_v[s, pl.ds(16, 16)] = acc1 * scale
            return None

        lax.fori_loop(0, CHUNK, seg_body, None)
        pltpu.sync_copy(out_v, out_hbm.at[pl.ds(seg_base, CHUNK)])

    ids_start(0, 0)
    ids_drain(0)
    fire_gathers(0)
    ids_start(1, 1)
    stage_lens(0, 0)

    @pl.loop(0, NCHUNK, step=2)
    def chunk_loop(c2):
        for b in range(2):
            c = c2 + b
            nb = 1 - b
            c1 = jnp.minimum(c + 1, NCHUNK - 1)
            c2n = jnp.minimum(c + 2, NCHUNK - 1)
            ids_drain(nb)
            fire_gathers(nb)
            rows_drain(b)
            ids_start(c2n, b)
            stage_lens(c1, nb)
            compute(c, b)

    rows_drain(0)
    ids_drain(1)


@jax.jit
def _dyemb(table, ids2d, lens):
    mesh = plsc.VectorSubcoreMesh(core_axis_name="c", subcore_axis_name="s",
                                  num_cores=NC, num_subcores=NS)
    return pl.kernel(
        _sc_body,
        out_type=jax.ShapeDtypeStruct((S, EMB), jnp.float32),
        mesh=mesh,
        scratch_types=[
            pltpu.VMEM((IDS_PER_CHUNK,), jnp.int32),
            pltpu.VMEM((IDS_PER_CHUNK,), jnp.int32),
            pltpu.VMEM((IDS_PER_CHUNK, EMB), jnp.float32),
            pltpu.VMEM((IDS_PER_CHUNK, EMB), jnp.float32),
            pltpu.VMEM((CHUNK,), jnp.int32),
            pltpu.VMEM((CHUNK,), jnp.int32),
            pltpu.VMEM((CHUNK,), jnp.float32),
            pltpu.VMEM((CHUNK,), jnp.float32),
            pltpu.VMEM((CHUNK, EMB), jnp.float32),
            pltpu.SemaphoreType.DMA,
            pltpu.SemaphoreType.DMA,
            pltpu.SemaphoreType.DMA,
            pltpu.SemaphoreType.DMA,
        ],
        compiler_params=pltpu.CompilerParams(needs_layout_passes=False,
                                             use_tc_tiling_on_sc=False),
    )(table, ids2d, lens)


def kernel(dynamic_ids, dynamic_lengths, embedding_weight):
    ids_flat = dynamic_ids.reshape(S * MAXF)
    lens = dynamic_lengths.reshape(S)
    out = _dyemb(embedding_weight, ids_flat, lens)
    return out.reshape(B, FIELD, EMB)

# --- scband reference (transcript-rebuilt; emitter-appended) ---
"""Pipeline reference for scband-dy-emb-68461778698732 (READ-ONLY COPY).

The authoritative reference and input builder live on the scoring server;
editing this copy changes nothing except your own understanding.
"""

import jax, jax.numpy as jnp
import numpy as np

B = 4096
FIELD = 26
MAXF = 20
VOCAB = 1000000
EMB = 32


def setup_inputs(seed: int = 0) -> dict:
    key = jax.random.key(seed)
    k1, k2, k3 = jax.random.split(key, 3)
    dynamic_ids = jax.random.randint(k1, (B, FIELD * MAXF), 0, VOCAB, dtype=jnp.int32)
    # lengths must be >= 1 to avoid division by zero in 'avg' pooling
    dynamic_lengths = jax.random.randint(k2, (B, FIELD), 1, MAXF + 1, dtype=jnp.int32)
    embedding_weight = jax.random.normal(k3, (VOCAB, EMB), dtype=jnp.float32) * 0.01
    embedding_weight = embedding_weight.at[0].set(0.0)  # padding_idx=0
    return {
        "dynamic_ids": dynamic_ids,
        "dynamic_lengths": dynamic_lengths,
        "embedding_weight": embedding_weight,
    }


def reference(dynamic_ids, dynamic_lengths, embedding_weight):
    # padding_idx=0: row 0 is forced to zero
    table = embedding_weight.at[0].set(0.0)
    ids = dynamic_ids.reshape(-1, MAXF)            # [B*FIELD, MAXF]
    lens = dynamic_lengths.reshape(-1)             # [B*FIELD]
    emb = jnp.take(table, ids, axis=0)             # [B*FIELD, MAXF, EMB]
    summed = jnp.sum(emb, axis=1)                  # [B*FIELD, EMB]
    lens_f = lens.astype(jnp.float32)[:, None]     # [B*FIELD, 1] broadcast
    avg = summed / lens_f
    return avg.reshape(-1, FIELD, EMB)             # [B, FIELD, EMB]

if __name__ == "__main__":
    import jax
    _d = setup_inputs()
    print(jax.jit(kernel)(*tuple(_d.values())))

</pallas_src>

<mosaic_0001>
#map = affine_map<(d0, d1) -> (0, 0)>
#map1 = affine_map<(d0, d1) -> (0)>
module attributes {stable_mosaic.version = 14 : i64} {
  func.func @_sc_body(%arg0: i32, %arg1: i32, %arg2: memref<1000000x32xf32, #tpu.memory_space<hbm>>, %arg3: memref<2129920xi32, #tpu.memory_space<hbm>>, %arg4: memref<106496xi32, #tpu.memory_space<hbm>>, %arg5: memref<106496x32xf32, #tpu.memory_space<hbm>>, %arg6: memref<1280xi32, #tpu.memory_space<vmem>>, %arg7: memref<1280xi32, #tpu.memory_space<vmem>>, %arg8: memref<1280x32xf32, #tpu.memory_space<vmem>>, %arg9: memref<1280x32xf32, #tpu.memory_space<vmem>>, %arg10: memref<64xi32, #tpu.memory_space<vmem>>, %arg11: memref<64xi32, #tpu.memory_space<vmem>>, %arg12: memref<64xf32, #tpu.memory_space<vmem>>, %arg13: memref<64xf32, #tpu.memory_space<vmem>>, %arg14: memref<64x32xf32, #tpu.memory_space<vmem>>, %arg15: memref<!tpu.dma_semaphore, #tpu.memory_space<semaphore_mem>>, %arg16: memref<!tpu.dma_semaphore, #tpu.memory_space<semaphore_mem>>, %arg17: memref<!tpu.dma_semaphore, #tpu.memory_space<semaphore_mem>>, %arg18: memref<!tpu.dma_semaphore, #tpu.memory_space<semaphore_mem>>) attributes {dimension_semantics = [#tpu.dimension_semantics<core_parallel>, #tpu.dimension_semantics<subcore_parallel>], iteration_bounds = array<i64: 2, 16>, scalar_prefetch = 0 : i64, scratch_operands = 13 : i64, tpu.core_type = #tpu.core_type<sc_vector_subcore>, window_params = [{transform_indices = #map}, {transform_indices = #map1}, {transform_indices = #map1}, {transform_indices = #map}]} {
    %mul3A = arith.constant 2 : i32
    %mul3A_0 = arith.muli %arg1, %mul3A : i32
    %add3A = arith.addi %mul3A_0, %arg0 : i32
    %mul3A_1 = arith.constant 3328 : i32
    %mul3A_2 = arith.muli %add3A, %mul3A_1 : i32
    %add3A_3 = arith.constant 0 : i32
    %add3A_4 = arith.addi %mul3A_2, %add3A_3 : i32
    %mul3A_5 = arith.constant 20 : i32
    %mul3A_6 = arith.muli %add3A_4, %mul3A_5 : i32
    %dma_start3A = tpu.memref_slice %arg3[%mul3A_6] : memref<2129920xi32, #tpu.memory_space<hbm>> -> memref<1280xi32, #tpu.memory_space<hbm>>
    %dma_start3A_7 = tpu.memref_slice %arg3[%mul3A_6] : memref<2129920xi32, #tpu.memory_space<hbm>> -> memref<1280xi32, #tpu.memory_space<hbm>>
    tpu.enqueue_dma source(%dma_start3A_7 : memref<1280xi32, #tpu.memory_space<hbm>>) target(%arg6 : memref<1280xi32, #tpu.memory_space<vmem>>) target_semaphore(%arg17 : memref<!tpu.dma_semaphore, #tpu.memory_space<semaphore_mem>>)
    %dma_wait3A = arith.constant 0 : i32
    %dma_wait3A_8 = tpu.memref_slice %arg3[%dma_wait3A] : memref<2129920xi32, #tpu.memory_space<hbm>> -> memref<1280xi32, #tpu.memory_space<hbm>>
    %dma_wait3A_9 = arith.constant 0 : i32
    %dma_wait3A_10 = tpu.memref_slice %arg3[%dma_wait3A_9] : memref<2129920xi32, #tpu.memory_space<hbm>> -> memref<1280xi32, #tpu.memory_space<hbm>>
    tpu.wait_dma2 semaphore(%arg17 : memref<!tpu.dma_semaphore, #tpu.memory_space<semaphore_mem>>) src(%dma_wait3A_10 : memref<1280xi32, #tpu.memory_space<hbm>>) dst(%arg6 : memref<1280xi32, #tpu.memory_space<vmem>>)
    %dma_start3A_11 = arith.constant 0 : i32
    %dma_start3A_12 = arith.constant 0 : i32
    %dma_start3A_13 = tpu.memref_slice %arg8[%dma_start3A_11, %dma_start3A_12] : memref<1280x32xf32, #tpu.memory_space<vmem>> -> memref<128x32xf32, #tpu.memory_space<vmem>>
    %dma_start3A_14 = arith.constant 0 : i32
    %dma_start3A_15 = tpu.memref_slice %arg6[%dma_start3A_14] : memref<1280xi32, #tpu.memory_space<vmem>> -> memref<128xi32, #tpu.memory_space<vmem>>
    %dma_start3A_16 = arith.constant 0 : i32
    %dma_start3A_17 = arith.constant 0 : i32
    %dma_start3A_18 = tpu.memref_slice %arg2[%dma_start3A_16, %dma_start3A_17] : memref<1000000x32xf32, #tpu.memory_space<hbm>> -> memref<1000000x32xf32, #tpu.memory_space<hbm>>
    tpu.enqueue_indirect_dma source(%dma_start3A_18 : memref<1000000x32xf32, #tpu.memory_space<hbm>>) target(%dma_start3A_13 : memref<128x32xf32, #tpu.memory_space<vmem>>) offsets(%dma_start3A_15 : memref<128xi32, #tpu.memory_space<vmem>>) semaphore(%arg15 : memref<!tpu.dma_semaphore, #tpu.memory_space<semaphore_mem>>)
    %dma_start3A_19 = arith.constant 128 : i32
    %dma_start3A_20 = arith.constant 0 : i32
    %dma_start3A_21 = tpu.memref_slice %arg8[%dma_start3A_19, %dma_start3A_20] : memref<1280x32xf32, #tpu.memory_space<vmem>> -> memref<128x32xf32, #tpu.memory_space<vmem>>
    %dma_start3A_22 = arith.constant 128 : i32
    %dma_start3A_23 = tpu.memref_slice %arg6[%dma_start3A_22] : memref<1280xi32, #tpu.memory_space<vmem>> -> memref<128xi32, #tpu.memory_space<vmem>>
    %dma_start3A_24 = arith.constant 0 : i32
    %dma_start3A_25 = arith.constant 0 : i32
    %dma_start3A_26 = tpu.memref_slice %arg2[%dma_start3A_24, %dma_start3A_25] : memref<1000000x32xf32, #tpu.memory_space<hbm>> -> memref<1000000x32xf32, #tpu.memory_space<hbm>>
    tpu.enqueue_indirect_dma source(%dma_start3A_26 : memref<1000000x32xf32, #tpu.memory_space<hbm>>) target(%dma_start3A_21 : memref<128x32xf32, #tpu.memory_space<vmem>>) offsets(%dma_start3A_23 : memref<128xi32, #tpu.memory_space<vmem>>) semaphore(%arg15 : memref<!tpu.dma_semaphore, #tpu.memory_space<semaphore_mem>>)
    %dma_start3A_27 = arith.constant 256 : i32
    %dma_start3A_28 = arith.constant 0 : i32
    %dma_start3A_29 = tpu.memref_slice %arg8[%dma_start3A_27, %dma_start3A_28] : memref<1280x32xf32, #tpu.memory_space<vmem>> -> memref<128x32xf32, #tpu.memory_space<vmem>>
    %dma_start3A_30 = arith.constant 256 : i32
    %dma_start3A_31 = tpu.memref_slice %arg6[%dma_start3A_30] : memref<1280xi32, #tpu.memory_space<vmem>> -> memref<128xi32, #tpu.memory_space<vmem>>
    %dma_start3A_32 = arith.constant 0 : i32
    %dma_start3A_33 = arith.constant 0 : i32
    %dma_start3A_34 = tpu.memref_slice %arg2[%dma_start3A_32, %dma_start3A_33] : memref<1000000x32xf32, #tpu.memory_space<hbm>> -> memref<1000000x32xf32, #tpu.memory_space<hbm>>
    tpu.enqueue_indirect_dma source(%dma_start3A_34 : memref<1000000x32xf32, #tpu.memory_space<hbm>>) target(%dma_start3A_29 : memref<128x32xf32, #tpu.memory_space<vmem>>) offsets(%dma_start3A_31 : memref<128xi32, #tpu.memory_space<vmem>>) semaphore(%arg15 : memref<!tpu.dma_semaphore, #tpu.memory_space<semaphore_mem>>)
    %dma_start3A_35 = arith.constant 384 : i32
    %dma_start3A_36 = arith.constant 0 : i32
    %dma_start3A_37 = tpu.memref_slice %arg8[%dma_start3A_35, %dma_start3A_36] : memref<1280x32xf32, #tpu.memory_space<vmem>> -> memref<128x32xf32, #tpu.memory_space<vmem>>
    %dma_start3A_38 = arith.constant 384 : i32
    %dma_start3A_39 = tpu.memref_slice %arg6[%dma_start3A_38] : memref<1280xi32, #tpu.memory_space<vmem>> -> memref<128xi32, #tpu.memory_space<vmem>>
    %dma_start3A_40 = arith.constant 0 : i32
    %dma_start3A_41 = arith.constant 0 : i32
    %dma_start3A_42 = tpu.memref_slice %arg2[%dma_start3A_40, %dma_start3A_41] : memref<1000000x32xf32, #tpu.memory_space<hbm>> -> memref<1000000x32xf32, #tpu.memory_space<hbm>>
    tpu.enqueue_indirect_dma source(%dma_start3A_42 : memref<1000000x32xf32, #tpu.memory_space<hbm>>) target(%dma_start3A_37 : memref<128x32xf32, #tpu.memory_space<vmem>>) offsets(%dma_start3A_39 : memref<128xi32, #tpu.memory_space<vmem>>) semaphore(%arg15 : memref<!tpu.dma_semaphore, #tpu.memory_space<semaphore_mem>>)
    %dma_start3A_43 = arith.constant 512 : i32
    %dma_start3A_44 = arith.constant 0 : i32
    %dma_start3A_45 = tpu.memref_slice %arg8[%dma_start3A_43, %dma_start3A_44] : memref<1280x32xf32, #tpu.memory_space<vmem>> -> memref<128x32xf32, #tpu.memory_space<vmem>>
    %dma_start3A_46 = arith.constant 512 : i32
    %dma_start3A_47 = tpu.memref_slice %arg6[%dma_start3A_46] : memref<1280xi32, #tpu.memory_space<vmem>> -> memref<128xi32, #tpu.memory_space<vmem>>
    %dma_start3A_48 = arith.constant 0 : i32
    %dma_start3A_49 = arith.constant 0 : i32
    %dma_start3A_50 = tpu.memref_slice %arg2[%dma_start3A_48, %dma_start3A_49] : memref<1000000x32xf32, #tpu.memory_space<hbm>> -> memref<1000000x32xf32, #tpu.memory_space<hbm>>
    tpu.enqueue_indirect_dma source(%dma_start3A_50 : memref<1000000x32xf32, #tpu.memory_space<hbm>>) target(%dma_start3A_45 : memref<128x32xf32, #tpu.memory_space<vmem>>) offsets(%dma_start3A_47 : memref<128xi32, #tpu.memory_space<vmem>>) semaphore(%arg15 : memref<!tpu.dma_semaphore, #tpu.memory_space<semaphore_mem>>)
    %dma_start3A_51 = arith.constant 640 : i32
    %dma_start3A_52 = arith.constant 0 : i32
    %dma_start3A_53 = tpu.memref_slice %arg8[%dma_start3A_51, %dma_start3A_52] : memref<1280x32xf32, #tpu.memory_space<vmem>> -> memref<128x32xf32, #tpu.memory_space<vmem>>
    %dma_start3A_54 = arith.constant 640 : i32
    %dma_start3A_55 = tpu.memref_slice %arg6[%dma_start3A_54] : memref<1280xi32, #tpu.memory_space<vmem>> -> memref<128xi32, #tpu.memory_space<vmem>>
    %dma_start3A_56 = arith.constant 0 : i32
    %dma_start3A_57 = arith.constant 0 : i32
    %dma_start3A_58 = tpu.memref_slice %arg2[%dma_start3A_56, %dma_start3A_57] : memref<1000000x32xf32, #tpu.memory_space<hbm>> -> memref<1000000x32xf32, #tpu.memory_space<hbm>>
    tpu.enqueue_indirect_dma source(%dma_start3A_58 : memref<1000000x32xf32, #tpu.memory_space<hbm>>) target(%dma_start3A_53 : memref<128x32xf32, #tpu.memory_space<vmem>>) offsets(%dma_start3A_55 : memref<128xi32, #tpu.memory_space<vmem>>) semaphore(%arg15 : memref<!tpu.dma_semaphore, #tpu.memory_space<semaphore_mem>>)
    %dma_start3A_59 = arith.constant 768 : i32
    %dma_start3A_60 = arith.constant 0 : i32
    %dma_start3A_61 = tpu.memref_slice %arg8[%dma_start3A_59, %dma_start3A_60] : memref<1280x32xf32, #tpu.memory_space<vmem>> -> memref<128x32xf32, #tpu.memory_space<vmem>>
    %dma_start3A_62 = arith.constant 768 : i32
    %dma_start3A_63 = tpu.memref_slice %arg6[%dma_start3A_62] : memref<1280xi32, #tpu.memory_space<vmem>> -> memref<128xi32, #tpu.memory_space<vmem>>
    %dma_start3A_64 = arith.constant 0 : i32
    %dma_start3A_65 = arith.constant 0 : i32
    %dma_start3A_66 = tpu.memref_slice %arg2[%dma_start3A_64, %dma_start3A_65] : memref<1000000x32xf32, #tpu.memory_space<hbm>> -> memref<1000000x32xf32, #tpu.memory_space<hbm>>
    tpu.enqueue_indirect_dma source(%dma_start3A_66 : memref<1000000x32xf32, #tpu.memory_space<hbm>>) target(%dma_start3A_61 : memref<128x32xf32, #tpu.memory_space<vmem>>) offsets(%dma_start3A_63 : memref<128xi32, #tpu.memory_space<vmem>>) semaphore(%arg15 : memref<!tpu.dma_semaphore, #tpu.memory_space<semaphore_mem>>)
    %dma_start3A_67 = arith.constant 896 : i32
    %dma_start3A_68 = arith.constant 0 : i32
    %dma_start3A_69 = tpu.memref_slice %arg8[%dma_start3A_67, %dma_start3A_68] : memref<1280x32xf32, #tpu.memory_space<vmem>> -> memref<128x32xf32, #tpu.memory_space<vmem>>
    %dma_start3A_70 = arith.constant 896 : i32
    %dma_start3A_71 = tpu.memref_slice %arg6[%dma_start3A_70] : memref<1280xi32, #tpu.memory_space<vmem>> -> memref<128xi32, #tpu.memory_space<vmem>>
    %dma_start3A_72 = arith.constant 0 : i32
    %dma_start3A_73 = arith.constant 0 : i32
    %dma_start3A_74 = tpu.memref_slice %arg2[%dma_start3A_72, %dma_start3A_73] : memref<1000000x32xf32, #tpu.memory_space<hbm>> -> memref<1000000x32xf32, #tpu.memory_space<hbm>>
    tpu.enqueue_indirect_dma source(%dma_start3A_74 : memref<1000000x32xf32, #tpu.memory_space<hbm>>) target(%dma_start3A_69 : memref<128x32xf32, #tpu.memory_space<vmem>>) offsets(%dma_start3A_71 : memref<128xi32, #tpu.memory_space<vmem>>) semaphore(%arg15 : memref<!tpu.dma_semaphore, #tpu.memory_space<semaphore_mem>>)
    %dma_start3A_75 = arith.constant 1024 : i32
    %dma_start3A_76 = arith.constant 0 : i32
    %dma_start3A_77 = tpu.memref_slice %arg8[%dma_start3A_75, %dma_start3A_76] : memref<1280x32xf32, #tpu.memory_space<vmem>> -> memref<128x32xf32, #tpu.memory_space<vmem>>
    %dma_start3A_78 = arith.constant 1024 : i32
    %dma_start3A_79 = tpu.memref_slice %arg6[%dma_start3A_78] : memref<1280xi32, #tpu.memory_space<vmem>> -> memref<128xi32, #tpu.memory_space<vmem>>
    %dma_start3A_80 = arith.constant 0 : i32
    %dma_start3A_81 = arith.constant 0 : i32
    %dma_start3A_82 = tpu.memref_slice %arg2[%dma_start3A_80, %dma_start3A_81] : memref<1000000x32xf32, #tpu.memory_space<hbm>> -> memref<1000000x32xf32, #tpu.memory_space<hbm>>
    tpu.enqueue_indirect_dma source(%dma_start3A_82 : memref<1000000x32xf32, #tpu.memory_space<hbm>>) target(%dma_start3A_77 : memref<128x32xf32, #tpu.memory_space<vmem>>) offsets(%dma_start3A_79 : memref<128xi32, #tpu.memory_space<vmem>>) semaphore(%arg15 : memref<!tpu.dma_semaphore, #tpu.memory_space<semaphore_mem>>)
    %dma_start3A_83 = arith.constant 1152 : i32
    %dma_start3A_84 = arith.constant 0 : i32
    %dma_start3A_85 = tpu.memref_slice %arg8[%dma_start3A_83, %dma_start3A_84] : memref<1280x32xf32, #tpu.memory_space<vmem>> -> memref<128x32xf32, #tpu.memory_space<vmem>>
    %dma_start3A_86 = arith.constant 1152 : i32
    %dma_start3A_87 = tpu.memref_slice %arg6[%dma_start3A_86] : memref<1280xi32, #tpu.memory_space<vmem>> -> memref<128xi32, #tpu.memory_space<vmem>>
    %dma_start3A_88 = arith.constant 0 : i32
    %dma_start3A_89 = arith.constant 0 : i32
    %dma_start3A_90 = tpu.memref_slice %arg2[%dma_start3A_88, %dma_start3A_89] : memref<1000000x32xf32, #tpu.memory_space<hbm>> -> memref<1000000x32xf32, #tpu.memory_space<hbm>>
    tpu.enqueue_indirect_dma source(%dma_start3A_90 : memref<1000000x32xf32, #tpu.memory_space<hbm>>) target(%dma_start3A_85 : memref<128x32xf32, #tpu.memory_space<vmem>>) offsets(%dma_start3A_87 : memref<128xi32, #tpu.memory_space<vmem>>) semaphore(%arg15 : memref<!tpu.dma_semaphore, #tpu.memory_space<semaphore_mem>>)
    %add3A_91 = arith.constant 64 : i32
    %add3A_92 = arith.addi %mul3A_2, %add3A_91 : i32
    %mul3A_93 = arith.constant 20 : i32
    %mul3A_94 = arith.muli %add3A_92, %mul3A_93 : i32
    %dma_start3A_95 = tpu.memref_slice %arg3[%mul3A_94] : memref<2129920xi32, #tpu.memory_space<hbm>> -> memref<1280xi32, #tpu.memory_space<hbm>>
    %dma_start3A_96 = tpu.memref_slice %arg3[%mul3A_94] : memref<2129920xi32, #tpu.memory_space<hbm>> -> memref<1280xi32, #tpu.memory_space<hbm>>
    tpu.enqueue_dma source(%dma_start3A_96 : memref<1280xi32, #tpu.memory_space<hbm>>) target(%arg7 : memref<1280xi32, #tpu.memory_space<vmem>>) target_semaphore(%arg18 : memref<!tpu.dma_semaphore, #tpu.memory_space<semaphore_mem>>)
    %add3A_97 = arith.constant 0 : i32
    %add3A_98 = arith.addi %mul3A_2, %add3A_97 : i32
    "tpu.region"() ({
      %run_scoped3A = tpu.sem_alloc : memref<!tpu.dma_semaphore, #tpu.memory_space<semaphore_mem>>
      %dma_start3A_141 = tpu.memref_slice %arg4[%add3A_98] : memref<106496xi32, #tpu.memory_space<hbm>> -> memref<64xi32, #tpu.memory_space<hbm>>
      %dma_start3A_142 = tpu.memref_slice %arg4[%add3A_98] : memref<106496xi32, #tpu.memory_space<hbm>> -> memref<64xi32, #tpu.memory_space<hbm>>
      tpu.enqueue_dma source(%dma_start3A_142 : memref<64xi32, #tpu.memory_space<hbm>>) target(%arg10 : memref<64xi32, #tpu.memory_space<vmem>>) target_semaphore(%run_scoped3A : memref<!tpu.dma_semaphore, #tpu.memory_space<semaphore_mem>>)
      %dma_wait3A_143 = tpu.memref_slice %arg4[%add3A_98] : memref<106496xi32, #tpu.memory_space<hbm>> -> memref<64xi32, #tpu.memory_space<hbm>>
      %dma_wait3A_144 = tpu.memref_slice %arg4[%add3A_98] : memref<106496xi32, #tpu.memory_space<hbm>> -> memref<64xi32, #tpu.memory_space<hbm>>
      tpu.wait_dma2 semaphore(%run_scoped3A : memref<!tpu.dma_semaphore, #tpu.memory_space<semaphore_mem>>) src(%dma_wait3A_144 : memref<64xi32, #tpu.memory_space<hbm>>) dst(%arg10 : memref<64xi32, #tpu.memory_space<vmem>>)
      tpu.yield
    }) : () -> ()
    %get3A = arith.constant 0 : index
    %get3A_99 = tpu.vector_load %arg10[%get3A] {strides = array<i32>} : memref<64xi32, #tpu.memory_space<vmem>>, vector<16xi32>,
    %convert_element_type3A = arith.sitofp %get3A_99 : vector<16xi32> to vector<16xf32>
    %div3A = arith.constant 1.000000e+00 : f32
    %div3A_100 = vector.broadcast %div3A : f32 to vector<16xf32>
    %div3A_101 = arith.divf %div3A_100, %convert_element_type3A : vector<16xf32>
    %swap3A = arith.constant 0 : index
    %swap3A_102 = tpu.vector_load %arg12[%swap3A] {strides = array<i32>} : memref<64xf32, #tpu.memory_space<vmem>>, vector<16xf32>,
    tpu.vector_store %arg12[%swap3A], %div3A_101 {strides = array<i32>} : memref<64xf32, #tpu.memory_space<vmem>>, vector<16xf32>,
    %get3A_103 = arith.constant 16 : index
    %get3A_104 = tpu.vector_load %arg10[%get3A_103] {strides = array<i32>} : memref<64xi32, #tpu.memory_space<vmem>>, vector<16xi32>,
    %convert_element_type3A_105 = arith.sitofp %get3A_104 : vector<16xi32> to vector<16xf32>
    %div3A_106 = arith.constant 1.000000e+00 : f32
    %div3A_107 = vector.broadcast %div3A_106 : f32 to vector<16xf32>
    %div3A_108 = arith.divf %div3A_107, %convert_element_type3A_105 : vector<16xf32>
    %swap3A_109 = arith.constant 16 : index
    %swap3A_110 = tpu.vector_load %arg12[%swap3A_109] {strides = array<i32>} : memref<64xf32, #tpu.memory_space<vmem>>, vector<16xf32>,
    tpu.vector_store %arg12[%swap3A_109], %div3A_108 {strides = array<i32>} : memref<64xf32, #tpu.memory_space<vmem>>, vector<16xf32>,
    %get3A_111 = arith.constant 32 : index
    %get3A_112 = tpu.vector_load %arg10[%get3A_111] {strides = array<i32>} : memref<64xi32, #tpu.memory_space<vmem>>, vector<16xi32>,
    %convert_element_type3A_113 = arith.sitofp %get3A_112 : vector<16xi32> to vector<16xf32>
    %div3A_114 = arith.constant 1.000000e+00 : f32
    %div3A_115 = vector.broadcast %div3A_114 : f32 to vector<16xf32>
    %div3A_116 = arith.divf %div3A_115, %convert_element_type3A_113 : vector<16xf32>
    %swap3A_117 = arith.constant 32 : index
    %swap3A_118 = tpu.vector_load %arg12[%swap3A_117] {strides = array<i32>} : memref<64xf32, #tpu.memory_space<vmem>>, vector<16xf32>,
    tpu.vector_store %arg12[%swap3A_117], %div3A_116 {strides = array<i32>} : memref<64xf32, #tpu.memory_space<vmem>>, vector<16xf32>,
    %get3A_119 = arith.constant 48 : index
    %get3A_120 = tpu.vector_load %arg10[%get3A_119] {strides = array<i32>} : memref<64xi32, #tpu.memory_space<vmem>>, vector<16xi32>,
    %convert_element_type3A_121 = arith.sitofp %get3A_120 : vector<16xi32> to vector<16xf32>
    %div3A_122 = arith.constant 1.000000e+00 : f32
    %div3A_123 = vector.broadcast %div3A_122 : f32 to vector<16xf32>
    %div3A_124 = arith.divf %div3A_123, %convert_element_type3A_121 : vector<16xf32>
    %swap3A_125 = arith.constant 48 : index
    %swap3A_126 = tpu.vector_load %arg12[%swap3A_125] {strides = array<i32>} : memref<64xf32, #tpu.memory_space<vmem>>, vector<16xf32>,
    tpu.vector_store %arg12[%swap3A_125], %div3A_124 {strides = array<i32>} : memref<64xf32, #tpu.memory_space<vmem>>, vector<16xf32>,
    %scan3A = arith.constant 0 : i32
    %scan3A_127 = arith.constant 26 : i32
    %scan3A_128 = arith.addi %scan3A, %scan3A_127 : i32
    %scan3A_129 = arith.constant 1 : i32
    scf.for %scan3A_141 = %scan3A to %scan3A_128 step %scan3A_129  : i32 {
      %mul3A_142 = arith.constant 2 : i32
      %mul3A_143 = arith.muli %scan3A_141, %mul3A_142 : i32
      %add3A_144 = arith.constant 0 : i32
      %add3A_145 = arith.addi %add3A_144, %mul3A_143 : i32
      %add3A_146 = arith.constant 0 : i32
      %add3A_147 = arith.addi %add3A_145, %add3A_146 : i32
      %add3A_148 = arith.constant 1 : i32
      %add3A_149 = arith.addi %add3A_147, %add3A_148 : i32
      %min3A = arith.constant 51 : i32
      %min3A_150 = arith.minsi %add3A_149, %min3A : i32
      %add3A_151 = arith.constant 2 : i32
      %add3A_152 = arith.addi %add3A_147, %add3A_151 : i32
      %min3A_153 = arith.constant 51 : i32
      %min3A_154 = arith.minsi %add3A_152, %min3A_153 : i32
      %dma_wait3A_155 = arith.constant 0 : i32
      %dma_wait3A_156 = tpu.memref_slice %arg3[%dma_wait3A_155] : memref<2129920xi32, #tpu.memory_space<hbm>> -> memref<1280xi32, #tpu.memory_space<hbm>>
      %dma_wait3A_157 = arith.constant 0 : i32
      %dma_wait3A_158 = tpu.memref_slice %arg3[%dma_wait3A_157] : memref<2129920xi32, #tpu.memory_space<hbm>> -> memref<1280xi32, #tpu.memory_space<hbm>>
      tpu.wait_dma2 semaphore(%arg18 : memref<!tpu.dma_semaphore, #tpu.memory_space<semaphore_mem>>) src(%dma_wait3A_158 : memref<1280xi32, #tpu.memory_space<hbm>>) dst(%arg7 : memref<1280xi32, #tpu.memory_space<vmem>>)
      %dma_start3A_159 = arith.constant 0 : i32
      %dma_start3A_160 = arith.constant 0 : i32
      %dma_start3A_161 = tpu.memref_slice %arg9[%dma_start3A_159, %dma_start3A_160] : memref<1280x32xf32, #tpu.memory_space<vmem>> -> memref<128x32xf32, #tpu.memory_space<vmem>>
      %dma_start3A_162 = arith.constant 0 : i32
      %dma_start3A_163 = tpu.memref_slice %arg7[%dma_start3A_162] : memref<1280xi32, #tpu.memory_space<vmem>> -> memref<128xi32, #tpu.memory_space<vmem>>
      %dma_start3A_164 = arith.constant 0 : i32
      %dma_start3A_165 = arith.constant 0 : i32
      %dma_start3A_166 = tpu.memref_slice %arg2[%dma_start3A_164, %dma_start3A_165] : memref<1000000x32xf32, #tpu.memory_space<hbm>> -> memref<1000000x32xf32, #tpu.memory_space<hbm>>
      tpu.enqueue_indirect_dma source(%dma_start3A_166 : memref<1000000x32xf32, #tpu.memory_space<hbm>>) target(%dma_start3A_161 : memref<128x32xf32, #tpu.memory_space<vmem>>) offsets(%dma_start3A_163 : memref<128xi32, #tpu.memory_space<vmem>>) semaphore(%arg16 : memref<!tpu.dma_semaphore, #tpu.memory_space<semaphore_mem>>)
      %dma_start3A_167 = arith.constant 128 : i32
      %dma_start3A_168 = arith.constant 0 : i32
      %dma_start3A_169 = tpu.memref_slice %arg9[%dma_start3A_167, %dma_start3A_168] : memref<1280x32xf32, #tpu.memory_space<vmem>> -> memref<128x32xf32, #tpu.memory_space<vmem>>
      %dma_start3A_170 = arith.constant 128 : i32
      %dma_start3A_171 = tpu.memref_slice %arg7[%dma_start3A_170] : memref<1280xi32, #tpu.memory_space<vmem>> -> memref<128xi32, #tpu.memory_space<vmem>>
      %dma_start3A_172 = arith.constant 0 : i32
      %dma_start3A_173 = arith.constant 0 : i32
      %dma_start3A_174 = tpu.memref_slice %arg2[%dma_start3A_172, %dma_start3A_173] : memref<1000000x32xf32, #tpu.memory_space<hbm>> -> memref<1000000x32xf32, #tpu.memory_space<hbm>>
      tpu.enqueue_indirect_dma source(%dma_start3A_174 : memref<1000000x32xf32, #tpu.memory_space<hbm>>) target(%dma_start3A_169 : memref<128x32xf32, #tpu.memory_space<vmem>>) offsets(%dma_start3A_171 : memref<128xi32, #tpu.memory_space<vmem>>) semaphore(%arg16 : memref<!tpu.dma_semaphore, #tpu.memory_space<semaphore_mem>>)
      %dma_start3A_175 = arith.constant 256 : i32
      %dma_start3A_176 = arith.constant 0 : i32
      %dma_start3A_177 = tpu.memref_slice %arg9[%dma_start3A_175, %dma_start3A_176] : memref<1280x32xf32, #tpu.memory_space<vmem>> -> memref<128x32xf32, #tpu.memory_space<vmem>>
      %dma_start3A_178 = arith.constant 256 : i32
      %dma_start3A_179 = tpu.memref_slice %arg7[%dma_start3A_178] : memref<1280xi32, #tpu.memory_space<vmem>> -> memref<128xi32, #tpu.memory_space<vmem>>
      %dma_start3A_180 = arith.constant 0 : i32
      %dma_start3A_181 = arith.constant 0 : i32
      %dma_start3A_182 = tpu.memref_slice %arg2[%dma_start3A_180, %dma_start3A_181] : memref<1000000x32xf32, #tpu.memory_space<hbm>> -> memref<1000000x32xf32, #tpu.memory_space<hbm>>
      tpu.enqueue_indirect_dma source(%dma_start3A_182 : memref<1000000x32xf32, #tpu.memory_space<hbm>>) target(%dma_start3A_177 : memref<128x32xf32, #tpu.memory_space<vmem>>) offsets(%dma_start3A_179 : memref<128xi32, #tpu.memory_space<vmem>>) semaphore(%arg16 : memref<!tpu.dma_semaphore, #tpu.memory_space<semaphore_mem>>)
      %dma_start3A_183 = arith.constant 384 : i32
      %dma_start3A_184 = arith.constant 0 : i32
      %dma_start3A_185 = tpu.memref_slice %arg9[%dma_start3A_183, %dma_start3A_184] : memref<1280x32xf32, #tpu.memory_space<vmem>> -> memref<128x32xf32, #tpu.memory_space<vmem>>
      %dma_start3A_186 = arith.constant 384 : i32
      %dma_start3A_187 = tpu.memref_slice %arg7[%dma_start3A_186] : memref<1280xi32, #tpu.memory_space<vmem>> -> memref<128xi32, #tpu.memory_space<vmem>>
      %dma_start3A_188 = arith.constant 0 : i32
      %dma_start3A_189 = arith.constant 0 : i32
      %dma_start3A_190 = tpu.memref_slice %arg2[%dma_start3A_188, %dma_start3A_189] : memref<1000000x32xf32, #tpu.memory_space<hbm>> -> memref<1000000x32xf32, #tpu.memory_space<hbm>>
      tpu.enqueue_indirect_dma source(%dma_start3A_190 : memref<1000000x32xf32, #tpu.memory_space<hbm>>) target(%dma_start3A_185 : memref<128x32xf32, #tpu.memory_space<vmem>>) offsets(%dma_start3A_187 : memref<128xi32, #tpu.memory_space<vmem>>) semaphore(%arg16 : memref<!tpu.dma_semaphore, #tpu.memory_space<semaphore_mem>>)
      %dma_start3A_191 = arith.constant 512 : i32
      %dma_start3A_192 = arith.constant 0 : i32
      %dma_start3A_193 = tpu.memref_slice %arg9[%dma_start3A_191, %dma_start3A_192] : memref<1280x32xf32, #tpu.memory_space<vmem>> -> memref<128x32xf32, #tpu.memory_space<vmem>>
      %dma_start3A_194 = arith.constant 512 : i32
      %dma_start3A_195 = tpu.memref_slice %arg7[%dma_start3A_194] : memref<1280xi32, #tpu.memory_space<vmem>> -> memref<128xi32, #tpu.memory_space<vmem>>
      %dma_start3A_196 = arith.constant 0 : i32
      %dma_start3A_197 = arith.constant 0 : i32
      %dma_start3A_198 = tpu.memref_slice %arg2[%dma_start3A_196, %dma_start3A_197] : memref<1000000x32xf32, #tpu.memory_space<hbm>> -> memref<1000000x32xf32, #tpu.memory_space<hbm>>
      tpu.enqueue_indirect_dma source(%dma_start3A_198 : memref<1000000x32xf32, #tpu.memory_space<hbm>>) target(%dma_start3A_193 : memref<128x32xf32, #tpu.memory_space<vmem>>) offsets(%dma_start3A_195 : memref<128xi32, #tpu.memory_space<vmem>>) semaphore(%arg16 : memref<!tpu.dma_semaphore, #tpu.memory_space<semaphore_mem>>)
      %dma_start3A_199 = arith.constant 640 : i32
      %dma_start3A_200 = arith.constant 0 : i32
      %dma_start3A_201 = tpu.memref_slice %arg9[%dma_start3A_199, %dma_start3A_200] : memref<1280x32xf32, #tpu.memory_space<vmem>> -> memref<128x32xf32, #tpu.memory_space<vmem>>
      %dma_start3A_202 = arith.constant 640 : i32
      %dma_start3A_203 = tpu.memref_slice %arg7[%dma_start3A_202] : memref<1280xi32, #tpu.memory_space<vmem>> -> memref<128xi32, #tpu.memory_space<vmem>>
      %dma_start3A_204 = arith.constant 0 : i32
      %dma_start3A_205 = arith.constant 0 : i32
      %dma_start3A_206 = tpu.memref_slice %arg2[%dma_start3A_204, %dma_start3A_205] : memref<1000000x32xf32, #tpu.memory_space<hbm>> -> memref<1000000x32xf32, #tpu.memory_space<hbm>>
      tpu.enqueue_indirect_dma source(%dma_start3A_206 : memref<1000000x32xf32, #tpu.memory_space<hbm>>) target(%dma_start3A_201 : memref<128x32xf32, #tpu.memory_space<vmem>>) offsets(%dma_start3A_203 : memref<128xi32, #tpu.memory_space<vmem>>) semaphore(%arg16 : memref<!tpu.dma_semaphore, #tpu.memory_space<semaphore_mem>>)
      %dma_start3A_207 = arith.constant 768 : i32
      %dma_start3A_208 = arith.constant 0 : i32
      %dma_start3A_209 = tpu.memref_slice %arg9[%dma_start3A_207, %dma_start3A_208] : memref<1280x32xf32, #tpu.memory_space<vmem>> -> memref<128x32xf32, #tpu.memory_space<vmem>>
      %dma_start3A_210 = arith.constant 768 : i32
      %dma_start3A_211 = tpu.memref_slice %arg7[%dma_start3A_210] : memref<1280xi32, #tpu.memory_space<vmem>> -> memref<128xi32, #tpu.memory_space<vmem>>
      %dma_start3A_212 = arith.constant 0 : i32
      %dma_start3A_213 = arith.constant 0 : i32
      %dma_start3A_214 = tpu.memref_slice %arg2[%dma_start3A_212, %dma_start3A_213] : memref<1000000x32xf32, #tpu.memory_space<hbm>> -> memref<1000000x32xf32, #tpu.memory_space<hbm>>
      tpu.enqueue_indirect_dma source(%dma_start3A_214 : memref<1000000x32xf32, #tpu.memory_space<hbm>>) target(%dma_start3A_209 : memref<128x32xf32, #tpu.memory_space<vmem>>) offsets(%dma_start3A_211 : memref<128xi32, #tpu.memory_space<vmem>>) semaphore(%arg16 : memref<!tpu.dma_semaphore, #tpu.memory_space<semaphore_mem>>)
      %dma_start3A_215 = arith.constant 896 : i32
      %dma_start3A_216 = arith.constant 0 : i32
      %dma_start3A_217 = tpu.memref_slice %arg9[%dma_start3A_215, %dma_start3A_216] : memref<1280x32xf32, #tpu.memory_space<vmem>> -> memref<128x32xf32, #tpu.memory_space<vmem>>
      %dma_start3A_218 = arith.constant 896 : i32
      %dma_start3A_219 = tpu.memref_slice %arg7[%dma_start3A_218] : memref<1280xi32, #tpu.memory_space<vmem>> -> memref<128xi32, #tpu.memory_space<vmem>>
      %dma_start3A_220 = arith.constant 0 : i32
      %dma_start3A_221 = arith.constant 0 : i32
      %dma_start3A_222 = tpu.memref_slice %arg2[%dma_start3A_220, %dma_start3A_221] : memref<1000000x32xf32, #tpu.memory_space<hbm>> -> memref<1000000x32xf32, #tpu.memory_space<hbm>>
      tpu.enqueue_indirect_dma source(%dma_start3A_222 : memref<1000000x32xf32, #tpu.memory_space<hbm>>) target(%dma_start3A_217 : memref<128x32xf32, #tpu.memory_space<vmem>>) offsets(%dma_start3A_219 : memref<128xi32, #tpu.memory_space<vmem>>) semaphore(%arg16 : memref<!tpu.dma_semaphore, #tpu.memory_space<semaphore_mem>>)
      %dma_start3A_223 = arith.constant 1024 : i32
      %dma_start3A_224 = arith.constant 0 : i32
      %dma_start3A_225 = tpu.memref_slice %arg9[%dma_start3A_223, %dma_start3A_224] : memref<1280x32xf32, #tpu.memory_space<vmem>> -> memref<128x32xf32, #tpu.memory_space<vmem>>
      %dma_start3A_226 = arith.constant 1024 : i32
      %dma_start3A_227 = tpu.memref_slice %arg7[%dma_start3A_226] : memref<1280xi32, #tpu.memory_space<vmem>> -> memref<128xi32, #tpu.memory_space<vmem>>
      %dma_start3A_228 = arith.constant 0 : i32
      %dma_start3A_229 = arith.constant 0 : i32
      %dma_start3A_230 = tpu.memref_slice %arg2[%dma_start3A_228, %dma_start3A_229] : memref<1000000x32xf32, #tpu.memory_space<hbm>> -> memref<1000000x32xf32, #tpu.memory_space<hbm>>
      tpu.enqueue_indirect_dma source(%dma_start3A_230 : memref<1000000x32xf32, #tpu.memory_space<hbm>>) target(%dma_start3A_225 : memref<128x32xf32, #tpu.memory_space<vmem>>) offsets(%dma_start3A_227 : memref<128xi32, #tpu.memory_space<vmem>>) semaphore(%arg16 : memref<!tpu.dma_semaphore, #tpu.memory_space<semaphore_mem>>)
      %dma_start3A_231 = arith.constant 1152 : i32
      %dma_start3A_232 = arith.constant 0 : i32
      %dma_start3A_233 = tpu.memref_slice %arg9[%dma_start3A_231, %dma_start3A_232] : memref<1280x32xf32, #tpu.memory_space<vmem>> -> memref<128x32xf32, #tpu.memory_space<vmem>>
      %dma_start3A_234 = arith.constant 1152 : i32
      %dma_start3A_235 = tpu.memref_slice %arg7[%dma_start3A_234] : memref<1280xi32, #tpu.memory_space<vmem>> -> memref<128xi32, #tpu.memory_space<vmem>>
      %dma_start3A_236 = arith.constant 0 : i32
      %dma_start3A_237 = arith.constant 0 : i32
      %dma_start3A_238 = tpu.memref_slice %arg2[%dma_start3A_236, %dma_start3A_237] : memref<1000000x32xf32, #tpu.memory_space<hbm>> -> memref<1000000x32xf32, #tpu.memory_space<hbm>>
      tpu.enqueue_indirect_dma source(%dma_start3A_238 : memref<1000000x32xf32, #tpu.memory_space<hbm>>) target(%dma_start3A_233 : memref<128x32xf32, #tpu.memory_space<vmem>>) offsets(%dma_start3A_235 : memref<128xi32, #tpu.memory_space<vmem>>) semaphore(%arg16 : memref<!tpu.dma_semaphore, #tpu.memory_space<semaphore_mem>>)
      %dma_wait3A_239 = arith.constant 0 : i32
      %dma_wait3A_240 = arith.constant 0 : i32
      %dma_wait3A_241 = tpu.memref_slice %arg5[%dma_wait3A_239, %dma_wait3A_240] : memref<106496x32xf32, #tpu.memory_space<hbm>> -> memref<1280x32xf32, #tpu.memory_space<hbm>>
      %dma_wait3A_242 = arith.constant 0 : i32
      %dma_wait3A_243 = arith.constant 0 : i32
      %dma_wait3A_244 = tpu.memref_slice %arg5[%dma_wait3A_242, %dma_wait3A_243] : memref<106496x32xf32, #tpu.memory_space<hbm>> -> memref<1280x32xf32, #tpu.memory_space<hbm>>
      tpu.wait_dma2 semaphore(%arg15 : memref<!tpu.dma_semaphore, #tpu.memory_space<semaphore_mem>>) src(%dma_wait3A_244 : memref<1280x32xf32, #tpu.memory_space<hbm>>) dst(%arg8 : memref<1280x32xf32, #tpu.memory_space<vmem>>)
      %mul3A_245 = arith.constant 64 : i32
      %mul3A_246 = arith.muli %min3A_154, %mul3A_245 : i32
      %add3A_247 = arith.addi %mul3A_2, %mul3A_246 : i32
      %mul3A_248 = arith.constant 20 : i32
      %mul3A_249 = arith.muli %add3A_247, %mul3A_248 : i32
      %dma_start3A_250 = tpu.memref_slice %arg3[%mul3A_249] : memref<2129920xi32, #tpu.memory_space<hbm>> -> memref<1280xi32, #tpu.memory_space<hbm>>
      %dma_start3A_251 = tpu.memref_slice %arg3[%mul3A_249] : memref<2129920xi32, #tpu.memory_space<hbm>> -> memref<1280xi32, #tpu.memory_space<hbm>>
      tpu.enqueue_dma source(%dma_start3A_251 : memref<1280xi32, #tpu.memory_space<hbm>>) target(%arg6 : memref<1280xi32, #tpu.memory_space<vmem>>) target_semaphore(%arg17 : memref<!tpu.dma_semaphore, #tpu.memory_space<semaphore_mem>>)
      %mul3A_252 = arith.constant 64 : i32
      %mul3A_253 = arith.muli %min3A_150, %mul3A_252 : i32
      %add3A_254 = arith.addi %mul3A_2, %mul3A_253 : i32
      "tpu.region"() ({
        %run_scoped3A = tpu.sem_alloc : memref<!tpu.dma_semaphore, #tpu.memory_space<semaphore_mem>>
        %dma_start3A_445 = tpu.memref_slice %arg4[%add3A_254] : memref<106496xi32, #tpu.memory_space<hbm>> -> memref<64xi32, #tpu.memory_space<hbm>>
        %dma_start3A_446 = tpu.memref_slice %arg4[%add3A_254] : memref<106496xi32, #tpu.memory_space<hbm>> -> memref<64xi32, #tpu.memory_space<hbm>>
        tpu.enqueue_dma source(%dma_start3A_446 : memref<64xi32, #tpu.memory_space<hbm>>) target(%arg11 : memref<64xi32, #tpu.memory_space<vmem>>) target_semaphore(%run_scoped3A : memref<!tpu.dma_semaphore, #tpu.memory_space<semaphore_mem>>)
        %dma_wait3A_447 = tpu.memref_slice %arg4[%add3A_254] : memref<106496xi32, #tpu.memory_space<hbm>> -> memref<64xi32, #tpu.memory_space<hbm>>
        %dma_wait3A_448 = tpu.memref_slice %arg4[%add3A_254] : memref<106496xi32, #tpu.memory_space<hbm>> -> memref<64xi32, #tpu.memory_space<hbm>>
        tpu.wait_dma2 semaphore(%run_scoped3A : memref<!tpu.dma_semaphore, #tpu.memory_space<semaphore_mem>>) src(%dma_wait3A_448 : memref<64xi32, #tpu.memory_space<hbm>>) dst(%arg11 : memref<64xi32, #tpu.memory_space<vmem>>)
        tpu.yield
      }) : () -> ()
      %get3A_255 = arith.constant 0 : index
      %get3A_256 = tpu.vector_load %arg11[%get3A_255] {strides = array<i32>} : memref<64xi32, #tpu.memory_space<vmem>>, vector<16xi32>,
      %convert_element_type3A_257 = arith.sitofp %get3A_256 : vector<16xi32> to vector<16xf32>
      %div3A_258 = arith.constant 1.000000e+00 : f32
      %div3A_259 = vector.broadcast %div3A_258 : f32 to vector<16xf32>
      %div3A_260 = arith.divf %div3A_259, %convert_element_type3A_257 : vector<16xf32>
      %swap3A_261 = arith.constant 0 : index
      %swap3A_262 = tpu.vector_load %arg13[%swap3A_261] {strides = array<i32>} : memref<64xf32, #tpu.memory_space<vmem>>, vector<16xf32>,
      tpu.vector_store %arg13[%swap3A_261], %div3A_260 {strides = array<i32>} : memref<64xf32, #tpu.memory_space<vmem>>, vector<16xf32>,
      %get3A_263 = arith.constant 16 : index
      %get3A_264 = tpu.vector_load %arg11[%get3A_263] {strides = array<i32>} : memref<64xi32, #tpu.memory_space<vmem>>, vector<16xi32>,
      %convert_element_type3A_265 = arith.sitofp %get3A_264 : vector<16xi32> to vector<16xf32>
      %div3A_266 = arith.constant 1.000000e+00 : f32
      %div3A_267 = vector.broadcast %div3A_266 : f32 to vector<16xf32>
      %div3A_268 = arith.divf %div3A_267, %convert_element_type3A_265 : vector<16xf32>
      %swap3A_269 = arith.constant 16 : index
      %swap3A_270 = tpu.vector_load %arg13[%swap3A_269] {strides = array<i32>} : memref<64xf32, #tpu.memory_space<vmem>>, vector<16xf32>,
      tpu.vector_store %arg13[%swap3A_269], %div3A_268 {strides = array<i32>} : memref<64xf32, #tpu.memory_space<vmem>>, vector<16xf32>,
      %get3A_271 = arith.constant 32 : index
      %get3A_272 = tpu.vector_load %arg11[%get3A_271] {strides = array<i32>} : memref<64xi32, #tpu.memory_space<vmem>>, vector<16xi32>,
      %convert_element_type3A_273 = arith.sitofp %get3A_272 : vector<16xi32> to vector<16xf32>
      %div3A_274 = arith.constant 1.000000e+00 : f32
      %div3A_275 = vector.broadcast %div3A_274 : f32 to vector<16xf32>
      %div3A_276 = arith.divf %div3A_275, %convert_element_type3A_273 : vector<16xf32>
      %swap3A_277 = arith.constant 32 : index
      %swap3A_278 = tpu.vector_load %arg13[%swap3A_277] {strides = array<i32>} : memref<64xf32, #tpu.memory_space<vmem>>, vector<16xf32>,
      tpu.vector_store %arg13[%swap3A_277], %div3A_276 {strides = array<i32>} : memref<64xf32, #tpu.memory_space<vmem>>, vector<16xf32>,
      %get3A_279 = arith.constant 48 : index
      %get3A_280 = tpu.vector_load %arg11[%get3A_279] {strides = array<i32>} : memref<64xi32, #tpu.memory_space<vmem>>, vector<16xi32>,
      %convert_element_type3A_281 = arith.sitofp %get3A_280 : vector<16xi32> to vector<16xf32>
      %div3A_282 = arith.constant 1.000000e+00 : f32
      %div3A_283 = vector.broadcast %div3A_282 : f32 to vector<16xf32>
      %div3A_284 = arith.divf %div3A_283, %convert_element_type3A_281 : vector<16xf32>
      %swap3A_285 = arith.constant 48 : index
      %swap3A_286 = tpu.vector_load %arg13[%swap3A_285] {strides = array<i32>} : memref<64xf32, #tpu.memory_space<vmem>>, vector<16xf32>,
      tpu.vector_store %arg13[%swap3A_285], %div3A_284 {strides = array<i32>} : memref<64xf32, #tpu.memory_space<vmem>>, vector<16xf32>,
      %mul3A_287 = arith.constant 64 : i32
      %mul3A_288 = arith.muli %add3A_147, %mul3A_287 : i32
      %add3A_289 = arith.addi %mul3A_2, %mul3A_288 : i32
      %scan3A_290 = arith.constant 0 : i32
      %scan3A_291 = arith.constant 64 : i32
      %scan3A_292 = arith.addi %scan3A_290, %scan3A_291 : i32
      %scan3A_293 = arith.constant 1 : i32
      scf.for %scan3A_445 = %scan3A_290 to %scan3A_292 step %scan3A_293  : i32 {
        %mul3A_446 = arith.constant 20 : i32
        %mul3A_447 = arith.muli %scan3A_445, %mul3A_446 : i32
        %get3A_448 = arith.index_cast %mul3A_447 : i32 to index
        %get3A_449 = arith.constant 0 : index
        %get3A_450 = tpu.vector_load %arg8[%get3A_448, %get3A_449] {strides = array<i32>} : memref<1280x32xf32, #tpu.memory_space<vmem>>, vector<16xf32>,
        %get3A_451 = arith.index_cast %mul3A_447 : i32 to index
        %get3A_452 = arith.constant 16 : index
        %get3A_453 = tpu.vector_load %arg8[%get3A_451, %get3A_452] {strides = array<i32>} : memref<1280x32xf32, #tpu.memory_space<vmem>>, vector<16xf32>,
        %add3A_454 = arith.constant 1 : i32
        %add3A_455 = arith.addi %mul3A_447, %add3A_454 : i32
        %get3A_456 = arith.index_cast %add3A_455 : i32 to index
        %get3A_457 = arith.constant 0 : index
        %get3A_458 = tpu.vector_load %arg8[%get3A_456, %get3A_457] {strides = array<i32>} : memref<1280x32xf32, #tpu.memory_space<vmem>>, vector<16xf32>,
        %add3A_459 = arith.addf %get3A_450, %get3A_458 : vector<16xf32>
        %add3A_460 = arith.constant 1 : i32
        %add3A_461 = arith.addi %mul3A_447, %add3A_460 : i32
        %get3A_462 = arith.index_cast %add3A_461 : i32 to index
        %get3A_463 = arith.constant 16 : index
        %get3A_464 = tpu.vector_load %arg8[%get3A_462, %get3A_463] {strides = array<i32>} : memref<1280x32xf32, #tpu.memory_space<vmem>>, vector<16xf32>,
        %add3A_465 = arith.addf %get3A_453, %get3A_464 : vector<16xf32>
        %add3A_466 = arith.constant 2 : i32
        %add3A_467 = arith.addi %mul3A_447, %add3A_466 : i32
        %get3A_468 = arith.index_cast %add3A_467 : i32 to index
        %get3A_469 = arith.constant 0 : index
        %get3A_470 = tpu.vector_load %arg8[%get3A_468, %get3A_469] {strides = array<i32>} : memref<1280x32xf32, #tpu.memory_space<vmem>>, vector<16xf32>,
        %add3A_471 = arith.addf %add3A_459, %get3A_470 : vector<16xf32>
        %add3A_472 = arith.constant 2 : i32
        %add3A_473 = arith.addi %mul3A_447, %add3A_472 : i32
        %get3A_474 = arith.index_cast %add3A_473 : i32 to index
        %get3A_475 = arith.constant 16 : index
        %get3A_476 = tpu.vector_load %arg8[%get3A_474, %get3A_475] {strides = array<i32>} : memref<1280x32xf32, #tpu.memory_space<vmem>>, vector<16xf32>,
        %add3A_477 = arith.addf %add3A_465, %get3A_476 : vector<16xf32>
        %add3A_478 = arith.constant 3 : i32
        %add3A_479 = arith.addi %mul3A_447, %add3A_478 : i32
        %get3A_480 = arith.index_cast %add3A_479 : i32 to index
        %get3A_481 = arith.constant 0 : index
        %get3A_482 = tpu.vector_load %arg8[%get3A_480, %get3A_481] {strides = array<i32>} : memref<1280x32xf32, #tpu.memory_space<vmem>>, vector<16xf32>,
        %add3A_483 = arith.addf %add3A_471, %get3A_482 : vector<16xf32>
        %add3A_484 = arith.constant 3 : i32
        %add3A_485 = arith.addi %mul3A_447, %add3A_484 : i32
        %get3A_486 = arith.index_cast %add3A_485 : i32 to index
        %get3A_487 = arith.constant 16 : index
        %get3A_488 = tpu.vector_load %arg8[%get3A_486, %get3A_487] {strides = array<i32>} : memref<1280x32xf32, #tpu.memory_space<vmem>>, vector<16xf32>,
        %add3A_489 = arith.addf %add3A_477, %get3A_488 : vector<16xf32>
        %add3A_490 = arith.constant 4 : i32
        %add3A_491 = arith.addi %mul3A_447, %add3A_490 : i32
        %get3A_492 = arith.index_cast %add3A_491 : i32 to index
        %get3A_493 = arith.constant 0 : index
        %get3A_494 = tpu.vector_load %arg8[%get3A_492, %get3A_493] {strides = array<i32>} : memref<1280x32xf32, #tpu.memory_space<vmem>>, vector<16xf32>,
        %add3A_495 = arith.addf %add3A_483, %get3A_494 : vector<16xf32>
        %add3A_496 = arith.constant 4 : i32
        %add3A_497 = arith.addi %mul3A_447, %add3A_496 : i32
        %get3A_498 = arith.index_cast %add3A_497 : i32 to index
        %get3A_499 = arith.constant 16 : index
        %get3A_500 = tpu.vector_load %arg8[%get3A_498, %get3A_499] {strides = array<i32>} : memref<1280x32xf32, #tpu.memory_space<vmem>>, vector<16xf32>,
        %add3A_501 = arith.addf %add3A_489, %get3A_500 : vector<16xf32>
        %add3A_502 = arith.constant 5 : i32
        %add3A_503 = arith.addi %mul3A_447, %add3A_502 : i32
        %get3A_504 = arith.index_cast %add3A_503 : i32 to index
        %get3A_505 = arith.constant 0 : index
        %get3A_506 = tpu.vector_load %arg8[%get3A_504, %get3A_505] {strides = array<i32>} : memref<1280x32xf32, #tpu.memory_space<vmem>>, vector<16xf32>,
        %add3A_507 = arith.addf %add3A_495, %get3A_506 : vector<16xf32>
        %add3A_508 = arith.constant 5 : i32
        %add3A_509 = arith.addi %mul3A_447, %add3A_508 : i32
        %get3A_510 = arith.index_cast %add3A_509 : i32 to index
        %get3A_511 = arith.constant 16 : index
        %get3A_512 = tpu.vector_load %arg8[%get3A_510, %get3A_511] {strides = array<i32>} : memref<1280x32xf32, #tpu.memory_space<vmem>>, vector<16xf32>,
        %add3A_513 = arith.addf %add3A_501, %get3A_512 : vector<16xf32>
        %add3A_514 = arith.constant 6 : i32
        %add3A_515 = arith.addi %mul3A_447, %add3A_514 : i32
        %get3A_516 = arith.index_cast %add3A_515 : i32 to index
        %get3A_517 = arith.constant 0 : index
        %get3A_518 = tpu.vector_load %arg8[%get3A_516, %get3A_517] {strides = array<i32>} : memref<1280x32xf32, #tpu.memory_space<vmem>>, vector<16xf32>,
        %add3A_519 = arith.addf %add3A_507, %get3A_518 : vector<16xf32>
        %add3A_520 = arith.constant 6 : i32
        %add3A_521 = arith.addi %mul3A_447, %add3A_520 : i32
        %get3A_522 = arith.index_cast %add3A_521 : i32 to index
        %get3A_523 = arith.constant 16 : index
        %get3A_524 = tpu.vector_load %arg8[%get3A_522, %get3A_523] {strides = array<i32>} : memref<1280x32xf32, #tpu.memory_space<vmem>>, vector<16xf32>,
        %add3A_525 = arith.addf %add3A_513, %get3A_524 : vector<16xf32>
        %add3A_526 = arith.constant 7 : i32
        %add3A_527 = arith.addi %mul3A_447, %add3A_526 : i32
        %get3A_528 = arith.index_cast %add3A_527 : i32 to index
        %get3A_529 = arith.constant 0 : index
        %get3A_530 = tpu.vector_load %arg8[%get3A_528, %get3A_529] {strides = array<i32>} : memref<1280x32xf32, #tpu.memory_space<vmem>>, vector<16xf32>,
        %add3A_531 = arith.addf %add3A_519, %get3A_530 : vector<16xf32>
        %add3A_532 = arith.constant 7 : i32
        %add3A_533 = arith.addi %mul3A_447, %add3A_532 : i32
        %get3A_534 = arith.index_cast %add3A_533 : i32 to index
        %get3A_535 = arith.constant 16 : index
        %get3A_536 = tpu.vector_load %arg8[%get3A_534, %get3A_535] {strides = array<i32>} : memref<1280x32xf32, #tpu.memory_space<vmem>>, vector<16xf32>,
        %add3A_537 = arith.addf %add3A_525, %get3A_536 : vector<16xf32>
        %add3A_538 = arith.constant 8 : i32
        %add3A_539 = arith.addi %mul3A_447, %add3A_538 : i32
        %get3A_540 = arith.index_cast %add3A_539 : i32 to index
        %get3A_541 = arith.constant 0 : index
        %get3A_542 = tpu.vector_load %arg8[%get3A_540, %get3A_541] {strides = array<i32>} : memref<1280x32xf32, #tpu.memory_space<vmem>>, vector<16xf32>,
        %add3A_543 = arith.addf %add3A_531, %get3A_542 : vector<16xf32>
        %add3A_544 = arith.constant 8 : i32
        %add3A_545 = arith.addi %mul3A_447, %add3A_544 : i32
        %get3A_546 = arith.index_cast %add3A_545 : i32 to index
        %get3A_547 = arith.constant 16 : index
        %get3A_548 = tpu.vector_load %arg8[%get3A_546, %get3A_547] {strides = array<i32>} : memref<1280x32xf32, #tpu.memory_space<vmem>>, vector<16xf32>,
        %add3A_549 = arith.addf %add3A_537, %get3A_548 : vector<16xf32>
        %add3A_550 = arith.constant 9 : i32
        %add3A_551 = arith.addi %mul3A_447, %add3A_550 : i32
        %get3A_552 = arith.index_cast %add3A_551 : i32 to index
        %get3A_553 = arith.constant 0 : index
        %get3A_554 = tpu.vector_load %arg8[%get3A_552, %get3A_553] {strides = array<i32>} : memref<1280x32xf32, #tpu.memory_space<vmem>>, vector<16xf32>,
        %add3A_555 = arith.addf %add3A_543, %get3A_554 : vector<16xf32>
        %add3A_556 = arith.constant 9 : i32
        %add3A_557 = arith.addi %mul3A_447, %add3A_556 : i32
        %get3A_558 = arith.index_cast %add3A_557 : i32 to index
        %get3A_559 = arith.constant 16 : index
        %get3A_560 = tpu.vector_load %arg8[%get3A_558, %get3A_559] {strides = array<i32>} : memref<1280x32xf32, #tpu.memory_space<vmem>>, vector<16xf32>,
        %add3A_561 = arith.addf %add3A_549, %get3A_560 : vector<16xf32>
        %add3A_562 = arith.constant 10 : i32
        %add3A_563 = arith.addi %mul3A_447, %add3A_562 : i32
        %get3A_564 = arith.index_cast %add3A_563 : i32 to index
        %get3A_565 = arith.constant 0 : index
        %get3A_566 = tpu.vector_load %arg8[%get3A_564, %get3A_565] {strides = array<i32>} : memref<1280x32xf32, #tpu.memory_space<vmem>>, vector<16xf32>,
        %add3A_567 = arith.addf %add3A_555, %get3A_566 : vector<16xf32>
        %add3A_568 = arith.constant 10 : i32
        %add3A_569 = arith.addi %mul3A_447, %add3A_568 : i32
        %get3A_570 = arith.index_cast %add3A_569 : i32 to index
        %get3A_571 = arith.constant 16 : index
        %get3A_572 = tpu.vector_load %arg8[%get3A_570, %get3A_571] {strides = array<i32>} : memref<1280x32xf32, #tpu.memory_space<vmem>>, vector<16xf32>,
        %add3A_573 = arith.addf %add3A_561, %get3A_572 : vector<16xf32>
        %add3A_574 = arith.constant 11 : i32
        %add3A_575 = arith.addi %mul3A_447, %add3A_574 : i32
        %get3A_576 = arith.index_cast %add3A_575 : i32 to index
        %get3A_577 = arith.constant 0 : index
        %get3A_578 = tpu.vector_load %arg8[%get3A_576, %get3A_577] {strides = array<i32>} : memref<1280x32xf32, #tpu.memory_space<vmem>>, vector<16xf32>,
        %add3A_579 = arith.addf %add3A_567, %get3A_578 : vector<16xf32>
        %add3A_580 = arith.constant 11 : i32
        %add3A_581 = arith.addi %mul3A_447, %add3A_580 : i32
        %get3A_582 = arith.index_cast %add3A_581 : i32 to index
        %get3A_583 = arith.constant 16 : index
        %get3A_584 = tpu.vector_load %arg8[%get3A_582, %get3A_583] {strides = array<i32>} : memref<1280x32xf32, #tpu.memory_space<vmem>>, vector<16xf32>,
        %add3A_585 = arith.addf %add3A_573, %get3A_584 : vector<16xf32>
        %add3A_586 = arith.constant 12 : i32
        %add3A_587 = arith.addi %mul3A_447, %add3A_586 : i32
        %get3A_588 = arith.index_cast %add3A_587 : i32 to index
        %get3A_589 = arith.constant 0 : index
        %get3A_590 = tpu.vector_load %arg8[%get3A_588, %get3A_589] {strides = array<i32>} : memref<1280x32xf32, #tpu.memory_space<vmem>>, vector<16xf32>,
        %add3A_591 = arith.addf %add3A_579, %get3A_590 : vector<16xf32>
        %add3A_592 = arith.constant 12 : i32
        %add3A_593 = arith.addi %mul3A_447, %add3A_592 : i32
        %get3A_594 = arith.index_cast %add3A_593 : i32 to index
        %get3A_595 = arith.constant 16 : index
        %get3A_596 = tpu.vector_load %arg8[%get3A_594, %get3A_595] {strides = array<i32>} : memref<1280x32xf32, #tpu.memory_space<vmem>>, vector<16xf32>,
        %add3A_597 = arith.addf %add3A_585, %get3A_596 : vector<16xf32>
        %add3A_598 = arith.constant 13 : i32
        %add3A_599 = arith.addi %mul3A_447, %add3A_598 : i32
        %get3A_600 = arith.index_cast %add3A_599 : i32 to index
        %get3A_601 = arith.constant 0 : index
        %get3A_602 = tpu.vector_load %arg8[%get3A_600, %get3A_601] {strides = array<i32>} : memref<1280x32xf32, #tpu.memory_space<vmem>>, vector<16xf32>,
        %add3A_603 = arith.addf %add3A_591, %get3A_602 : vector<16xf32>
        %add3A_604 = arith.constant 13 : i32
        %add3A_605 = arith.addi %mul3A_447, %add3A_604 : i32
        %get3A_606 = arith.index_cast %add3A_605 : i32 to index
        %get3A_607 = arith.constant 16 : index
        %get3A_608 = tpu.vector_load %arg8[%get3A_606, %get3A_607] {strides = array<i32>} : memref<1280x32xf32, #tpu.memory_space<vmem>>, vector<16xf32>,
        %add3A_609 = arith.addf %add3A_597, %get3A_608 : vector<16xf32>
        %add3A_610 = arith.constant 14 : i32
        %add3A_611 = arith.addi %mul3A_447, %add3A_610 : i32
        %get3A_612 = arith.index_cast %add3A_611 : i32 to index
        %get3A_613 = arith.constant 0 : index
        %get3A_614 = tpu.vector_load %arg8[%get3A_612, %get3A_613] {strides = array<i32>} : memref<1280x32xf32, #tpu.memory_space<vmem>>, vector<16xf32>,
        %add3A_615 = arith.addf %add3A_603, %get3A_614 : vector<16xf32>
        %add3A_616 = arith.constant 14 : i32
        %add3A_617 = arith.addi %mul3A_447, %add3A_616 : i32
        %get3A_618 = arith.index_cast %add3A_617 : i32 to index
        %get3A_619 = arith.constant 16 : index
        %get3A_620 = tpu.vector_load %arg8[%get3A_618, %get3A_619] {strides = array<i32>} : memref<1280x32xf32, #tpu.memory_space<vmem>>, vector<16xf32>,
        %add3A_621 = arith.addf %add3A_609, %get3A_620 : vector<16xf32>
        %add3A_622 = arith.constant 15 : i32
        %add3A_623 = arith.addi %mul3A_447, %add3A_622 : i32
        %get3A_624 = arith.index_cast %add3A_623 : i32 to index
        %get3A_625 = arith.constant 0 : index
        %get3A_626 = tpu.vector_load %arg8[%get3A_624, %get3A_625] {strides = array<i32>} : memref<1280x32xf32, #tpu.memory_space<vmem>>, vector<16xf32>,
        %add3A_627 = arith.addf %add3A_615, %get3A_626 : vector<16xf32>
        %add3A_628 = arith.constant 15 : i32
        %add3A_629 = arith.addi %mul3A_447, %add3A_628 : i32
        %get3A_630 = arith.index_cast %add3A_629 : i32 to index
        %get3A_631 = arith.constant 16 : index
        %get3A_632 = tpu.vector_load %arg8[%get3A_630, %get3A_631] {strides = array<i32>} : memref<1280x32xf32, #tpu.memory_space<vmem>>, vector<16xf32>,
        %add3A_633 = arith.addf %add3A_621, %get3A_632 : vector<16xf32>
        %add3A_634 = arith.constant 16 : i32
        %add3A_635 = arith.addi %mul3A_447, %add3A_634 : i32
        %get3A_636 = arith.index_cast %add3A_635 : i32 to index
        %get3A_637 = arith.constant 0 : index
        %get3A_638 = tpu.vector_load %arg8[%get3A_636, %get3A_637] {strides = array<i32>} : memref<1280x32xf32, #tpu.memory_space<vmem>>, vector<16xf32>,
        %add3A_639 = arith.addf %add3A_627, %get3A_638 : vector<16xf32>
        %add3A_640 = arith.constant 16 : i32
        %add3A_641 = arith.addi %mul3A_447, %add3A_640 : i32
        %get3A_642 = arith.index_cast %add3A_641 : i32 to index
        %get3A_643 = arith.constant 16 : index
        %get3A_644 = tpu.vector_load %arg8[%get3A_642, %get3A_643] {strides = array<i32>} : memref<1280x32xf32, #tpu.memory_space<vmem>>, vector<16xf32>,
        %add3A_645 = arith.addf %add3A_633, %get3A_644 : vector<16xf32>
        %add3A_646 = arith.constant 17 : i32
        %add3A_647 = arith.addi %mul3A_447, %add3A_646 : i32
        %get3A_648 = arith.index_cast %add3A_647 : i32 to index
        %get3A_649 = arith.constant 0 : index
        %get3A_650 = tpu.vector_load %arg8[%get3A_648, %get3A_649] {strides = array<i32>} : memref<1280x32xf32, #tpu.memory_space<vmem>>, vector<16xf32>,
        %add3A_651 = arith.addf %add3A_639, %get3A_650 : vector<16xf32>
        %add3A_652 = arith.constant 17 : i32
        %add3A_653 = arith.addi %mul3A_447, %add3A_652 : i32
        %get3A_654 = arith.index_cast %add3A_653 : i32 to index
        %get3A_655 = arith.constant 16 : index
        %get3A_656 = tpu.vector_load %arg8[%get3A_654, %get3A_655] {strides = array<i32>} : memref<1280x32xf32, #tpu.memory_space<vmem>>, vector<16xf32>,
        %add3A_657 = arith.addf %add3A_645, %get3A_656 : vector<16xf32>
        %add3A_658 = arith.constant 18 : i32
        %add3A_659 = arith.addi %mul3A_447, %add3A_658 : i32
        %get3A_660 = arith.index_cast %add3A_659 : i32 to index
        %get3A_661 = arith.constant 0 : index
        %get3A_662 = tpu.vector_load %arg8[%get3A_660, %get3A_661] {strides = array<i32>} : memref<1280x32xf32, #tpu.memory_space<vmem>>, vector<16xf32>,
        %add3A_663 = arith.addf %add3A_651, %get3A_662 : vector<16xf32>
        %add3A_664 = arith.constant 18 : i32
        %add3A_665 = arith.addi %mul3A_447, %add3A_664 : i32
        %get3A_666 = arith.index_cast %add3A_665 : i32 to index
        %get3A_667 = arith.constant 16 : index
        %get3A_668 = tpu.vector_load %arg8[%get3A_666, %get3A_667] {strides = array<i32>} : memref<1280x32xf32, #tpu.memory_space<vmem>>, vector<16xf32>,
        %add3A_669 = arith.addf %add3A_657, %get3A_668 : vector<16xf32>
        %add3A_670 = arith.constant 19 : i32
        %add3A_671 = arith.addi %mul3A_447, %add3A_670 : i32
        %get3A_672 = arith.index_cast %add3A_671 : i32 to index
        %get3A_673 = arith.constant 0 : index
        %get3A_674 = tpu.vector_load %arg8[%get3A_672, %get3A_673] {strides = array<i32>} : memref<1280x32xf32, #tpu.memory_space<vmem>>, vector<16xf32>,
        %add3A_675 = arith.addf %add3A_663, %get3A_674 : vector<16xf32>
        %add3A_676 = arith.constant 19 : i32
        %add3A_677 = arith.addi %mul3A_447, %add3A_676 : i32
        %get3A_678 = arith.index_cast %add3A_677 : i32 to index
        %get3A_679 = arith.constant 16 : index
        %get3A_680 = tpu.vector_load %arg8[%get3A_678, %get3A_679] {strides = array<i32>} : memref<1280x32xf32, #tpu.memory_space<vmem>>, vector<16xf32>,
        %add3A_681 = arith.addf %add3A_669, %get3A_680 : vector<16xf32>
        %broadcast_in_dim3A = vector.broadcast %scan3A_445 : i32 to vector<16xi32>
        %gather3A = tpu.vector_load_idx %arg12[%broadcast_in_dim3A] : memref<64xf32, #tpu.memory_space<vmem>>[vector<16xi32>], vector<16xf32>,
        %mul3A_682 = arith.mulf %add3A_675, %gather3A : vector<16xf32>
        %swap3A_683 = arith.index_cast %scan3A_445 : i32 to index
        %swap3A_684 = arith.constant 0 : index
        %swap3A_685 = tpu.vector_load %arg14[%swap3A_683, %swap3A_684] {strides = array<i32>} : memref<64x32xf32, #tpu.memory_space<vmem>>, vector<16xf32>,
        tpu.vector_store %arg14[%swap3A_683, %swap3A_684], %mul3A_682 {strides = array<i32>} : memref<64x32xf32, #tpu.memory_space<vmem>>, vector<16xf32>,
        %mul3A_686 = arith.mulf %add3A_681, %gather3A : vector<16xf32>
        %swap3A_687 = arith.index_cast %scan3A_445 : i32 to index
        %swap3A_688 = arith.constant 16 : index
        %swap3A_689 = tpu.vector_load %arg14[%swap3A_687, %swap3A_688] {strides = array<i32>} : memref<64x32xf32, #tpu.memory_space<vmem>>, vector<16xf32>,
        tpu.vector_store %arg14[%swap3A_687, %swap3A_688], %mul3A_686 {strides = array<i32>} : memref<64x32xf32, #tpu.memory_space<vmem>>, vector<16xf32>,
      }
      %scan3A_294 = arith.constant 64 : i32
      "tpu.region"() ({
        %run_scoped3A = tpu.sem_alloc : memref<!tpu.dma_semaphore, #tpu.memory_space<semaphore_mem>>
        %dma_start3A_445 = arith.constant 0 : i32
        %dma_start3A_446 = tpu.memref_slice %arg5[%add3A_289, %dma_start3A_445] : memref<106496x32xf32, #tpu.memory_space<hbm>> -> memref<64x32xf32, #tpu.memory_space<hbm>>
        %dma_start3A_447 = arith.constant 0 : i32
        %dma_start3A_448 = tpu.memref_slice %arg5[%add3A_289, %dma_start3A_447] : memref<106496x32xf32, #tpu.memory_space<hbm>> -> memref<64x32xf32, #tpu.memory_space<hbm>>
        tpu.enqueue_dma source(%arg14 : memref<64x32xf32, #tpu.memory_space<vmem>>) target(%dma_start3A_448 : memref<64x32xf32, #tpu.memory_space<hbm>>) target_semaphore(%run_scoped3A : memref<!tpu.dma_semaphore, #tpu.memory_space<semaphore_mem>>)
        %dma_wait3A_449 = arith.constant 0 : i32
        %dma_wait3A_450 = tpu.memref_slice %arg5[%add3A_289, %dma_wait3A_449] : memref<106496x32xf32, #tpu.memory_space<hbm>> -> memref<64x32xf32, #tpu.memory_space<hbm>>
        %dma_wait3A_451 = arith.constant 0 : i32
        %dma_wait3A_452 = tpu.memref_slice %arg5[%add3A_289, %dma_wait3A_451] : memref<106496x32xf32, #tpu.memory_space<hbm>> -> memref<64x32xf32, #tpu.memory_space<hbm>>
        tpu.wait_dma2 semaphore(%run_scoped3A : memref<!tpu.dma_semaphore, #tpu.memory_space<semaphore_mem>>) src(%arg14 : memref<64x32xf32, #tpu.memory_space<vmem>>) dst(%dma_wait3A_452 : memref<64x32xf32, #tpu.memory_space<hbm>>)
        tpu.yield
      }) : () -> ()
      %add3A_295 = arith.constant 1 : i32
      %add3A_296 = arith.addi %add3A_145, %add3A_295 : i32
      %add3A_297 = arith.constant 1 : i32
      %add3A_298 = arith.addi %add3A_296, %add3A_297 : i32
      %min3A_299 = arith.constant 51 : i32
      %min3A_300 = arith.minsi %add3A_298, %min3A_299 : i32
      %add3A_301 = arith.constant 2 : i32
      %add3A_302 = arith.addi %add3A_296, %add3A_301 : i32
      %min3A_303 = arith.constant 51 : i32
      %min3A_304 = arith.minsi %add3A_302, %min3A_303 : i32
      %dma_wait3A_305 = arith.constant 0 : i32
      %dma_wait3A_306 = tpu.memref_slice %arg3[%dma_wait3A_305] : memref<2129920xi32, #tpu.memory_space<hbm>> -> memref<1280xi32, #tpu.memory_space<hbm>>
      %dma_wait3A_307 = arith.constant 0 : i32
      %dma_wait3A_308 = tpu.memref_slice %arg3[%dma_wait3A_307] : memref<2129920xi32, #tpu.memory_space<hbm>> -> memref<1280xi32, #tpu.memory_space<hbm>>
      tpu.wait_dma2 semaphore(%arg17 : memref<!tpu.dma_semaphore, #tpu.memory_space<semaphore_mem>>) src(%dma_wait3A_308 : memref<1280xi32, #tpu.memory_space<hbm>>) dst(%arg6 : memref<1280xi32, #tpu.memory_space<vmem>>)
      %dma_start3A_309 = arith.constant 0 : i32
      %dma_start3A_310 = arith.constant 0 : i32
      %dma_start3A_311 = tpu.memref_slice %arg8[%dma_start3A_309, %dma_start3A_310] : memref<1280x32xf32, #tpu.memory_space<vmem>> -> memref<128x32xf32, #tpu.memory_space<vmem>>
      %dma_start3A_312 = arith.constant 0 : i32
      %dma_start3A_313 = tpu.memref_slice %arg6[%dma_start3A_312] : memref<1280xi32, #tpu.memory_space<vmem>> -> memref<128xi32, #tpu.memory_space<vmem>>
      %dma_start3A_314 = arith.constant 0 : i32
      %dma_start3A_315 = arith.constant 0 : i32
      %dma_start3A_316 = tpu.memref_slice %arg2[%dma_start3A_314, %dma_start3A_315] : memref<1000000x32xf32, #tpu.memory_space<hbm>> -> memref<1000000x32xf32, #tpu.memory_space<hbm>>
      tpu.enqueue_indirect_dma source(%dma_start3A_316 : memref<1000000x32xf32, #tpu.memory_space<hbm>>) target(%dma_start3A_311 : memref<128x32xf32, #tpu.memory_space<vmem>>) offsets(%dma_start3A_313 : memref<128xi32, #tpu.memory_space<vmem>>) semaphore(%arg15 : memref<!tpu.dma_semaphore, #tpu.memory_space<semaphore_mem>>)
      %dma_start3A_317 = arith.constant 128 : i32
      %dma_start3A_318 = arith.constant 0 : i32
      %dma_start3A_319 = tpu.memref_slice %arg8[%dma_start3A_317, %dma_start3A_318] : memref<1280x32xf32, #tpu.memory_space<vmem>> -> memref<128x32xf32, #tpu.memory_space<vmem>>
      %dma_start3A_320 = arith.constant 128 : i32
      %dma_start3A_321 = tpu.memref_slice %arg6[%dma_start3A_320] : memref<1280xi32, #tpu.memory_space<vmem>> -> memref<128xi32, #tpu.memory_space<vmem>>
      %dma_start3A_322 = arith.constant 0 : i32
      %dma_start3A_323 = arith.constant 0 : i32
      %dma_start3A_324 = tpu.memref_slice %arg2[%dma_start3A_322, %dma_start3A_323] : memref<1000000x32xf32, #tpu.memory_space<hbm>> -> memref<1000000x32xf32, #tpu.memory_space<hbm>>
      tpu.enqueue_indirect_dma source(%dma_start3A_324 : memref<1000000x32xf32, #tpu.memory_space<hbm>>) target(%dma_start3A_319 : memref<128x32xf32, #tpu.memory_space<vmem>>) offsets(%dma_start3A_321 : memref<128xi32, #tpu.memory_space<vmem>>) semaphore(%arg15 : memref<!tpu.dma_semaphore, #tpu.memory_space<semaphore_mem>>)
      %dma_start3A_325 = arith.constant 256 : i32
      %dma_start3A_326 = arith.constant 0 : i32
      %dma_start3A_327 = tpu.memref_slice %arg8[%dma_start3A_325, %dma_start3A_326] : memref<1280x32xf32, #tpu.memory_space<vmem>> -> memref<128x32xf32, #tpu.memory_space<vmem>>
      %dma_start3A_328 = arith.constant 256 : i32
      %dma_start3A_329 = tpu.memref_slice %arg6[%dma_start3A_328] : memref<1280xi32, #tpu.memory_space<vmem>> -> memref<128xi32, #tpu.memory_space<vmem>>
      %dma_start3A_330 = arith.constant 0 : i32
      %dma_start3A_331 = arith.constant 0 : i32
      %dma_start3A_332 = tpu.memref_slice %arg2[%dma_start3A_330, %dma_start3A_331] : memref<1000000x32xf32, #tpu.memory_space<hbm>> -> memref<1000000x32xf32, #tpu.memory_space<hbm>>
      tpu.enqueue_indirect_dma source(%dma_start3A_332 : memref<1000000x32xf32, #tpu.memory_space<hbm>>) target(%dma_start3A_327 : memref<128x32xf32, #tpu.memory_space<vmem>>) offsets(%dma_start3A_329 : memref<128xi32, #tpu.memory_space<vmem>>) semaphore(%arg15 : memref<!tpu.dma_semaphore, #tpu.memory_space<semaphore_mem>>)
      %dma_start3A_333 = arith.constant 384 : i32
      %dma_start3A_334 = arith.constant 0 : i32
      %dma_start3A_335 = tpu.memref_slice %arg8[%dma_start3A_333, %dma_start3A_334] : memref<1280x32xf32, #tpu.memory_space<vmem>> -> memref<128x32xf32, #tpu.memory_space<vmem>>
      %dma_start3A_336 = arith.constant 384 : i32
      %dma_start3A_337 = tpu.memref_slice %arg6[%dma_start3A_336] : memref<1280xi32, #tpu.memory_space<vmem>> -> memref<128xi32, #tpu.memory_space<vmem>>
      %dma_start3A_338 = arith.constant 0 : i32
      %dma_start3A_339 = arith.constant 0 : i32
      %dma_start3A_340 = tpu.memref_slice %arg2[%dma_start3A_338, %dma_start3A_339] : memref<1000000x32xf32, #tpu.memory_space<hbm>> -> memref<1000000x32xf32, #tpu.memory_space<hbm>>
      tpu.enqueue_indirect_dma source(%dma_start3A_340 : memref<1000000x32xf32, #tpu.memory_space<hbm>>) target(%dma_start3A_335 : memref<128x32xf32, #tpu.memory_space<vmem>>) offsets(%dma_start3A_337 : memref<128xi32, #tpu.memory_space<vmem>>) semaphore(%arg15 : memref<!tpu.dma_semaphore, #tpu.memory_space<semaphore_mem>>)
      %dma_start3A_341 = arith.constant 512 : i32
      %dma_start3A_342 = arith.constant 0 : i32
      %dma_start3A_343 = tpu.memref_slice %arg8[%dma_start3A_341, %dma_start3A_342] : memref<1280x32xf32, #tpu.memory_space<vmem>> -> memref<128x32xf32, #tpu.memory_space<vmem>>
      %dma_start3A_344 = arith.constant 512 : i32
      %dma_start3A_345 = tpu.memref_slice %arg6[%dma_start3A_344] : memref<1280xi32, #tpu.memory_space<vmem>> -> memref<128xi32, #tpu.memory_space<vmem>>
      %dma_start3A_346 = arith.constant 0 : i32
      %dma_start3A_347 = arith.constant 0 : i32
      %dma_start3A_348 = tpu.memref_slice %arg2[%dma_start3A_346, %dma_start3A_347] : memref<1000000x32xf32, #tpu.memory_space<hbm>> -> memref<1000000x32xf32, #tpu.memory_space<hbm>>
      tpu.enqueue_indirect_dma source(%dma_start3A_348 : memref<1000000x32xf32, #tpu.memory_space<hbm>>) target(%dma_start3A_343 : memref<128x32xf32, #tpu.memory_space<vmem>>) offsets(%dma_start3A_345 : memref<128xi32, #tpu.memory_space<vmem>>) semaphore(%arg15 : memref<!tpu.dma_semaphore, #tpu.memory_space<semaphore_mem>>)
      %dma_start3A_349 = arith.constant 640 : i32
      %dma_start3A_350 = arith.constant 0 : i32
      %dma_start3A_351 = tpu.memref_slice %arg8[%dma_start3A_349, %dma_start3A_350] : memref<1280x32xf32, #tpu.memory_space<vmem>> -> memref<128x32xf32, #tpu.memory_space<vmem>>
      %dma_start3A_352 = arith.constant 640 : i32
      %dma_start3A_353 = tpu.memref_slice %arg6[%dma_start3A_352] : memref<1280xi32, #tpu.memory_space<vmem>> -> memref<128xi32, #tpu.memory_space<vmem>>
      %dma_start3A_354 = arith.constant 0 : i32
      %dma_start3A_355 = arith.constant 0 : i32
      %dma_start3A_356 = tpu.memref_slice %arg2[%dma_start3A_354, %dma_start3A_355] : memref<1000000x32xf32, #tpu.memory_space<hbm>> -> memref<1000000x32xf32, #tpu.memory_space<hbm>>
      tpu.enqueue_indirect_dma source(%dma_start3A_356 : memref<1000000x32xf32, #tpu.memory_space<hbm>>) target(%dma_start3A_351 : memref<128x32xf32, #tpu.memory_space<vmem>>) offsets(%dma_start3A_353 : memref<128xi32, #tpu.memory_space<vmem>>) semaphore(%arg15 : memref<!tpu.dma_semaphore, #tpu.memory_space<semaphore_mem>>)
      %dma_start3A_357 = arith.constant 768 : i32
      %dma_start3A_358 = arith.constant 0 : i32
      %dma_start3A_359 = tpu.memref_slice %arg8[%dma_start3A_357, %dma_start3A_358] : memref<1280x32xf32, #tpu.memory_space<vmem>> -> memref<128x32xf32, #tpu.memory_space<vmem>>
      %dma_start3A_360 = arith.constant 768 : i32
      %dma_start3A_361 = tpu.memref_slice %arg6[%dma_start3A_360] : memref<1280xi32, #tpu.memory_space<vmem>> -> memref<128xi32, #tpu.memory_space<vmem>>
      %dma_start3A_362 = arith.constant 0 : i32
      %dma_start3A_363 = arith.constant 0 : i32
      %dma_start3A_364 = tpu.memref_slice %arg2[%dma_start3A_362, %dma_start3A_363] : memref<1000000x32xf32, #tpu.memory_space<hbm>> -> memref<1000000x32xf32, #tpu.memory_space<hbm>>
      tpu.enqueue_indirect_dma source(%dma_start3A_364 : memref<1000000x32xf32, #tpu.memory_space<hbm>>) target(%dma_start3A_359 : memref<128x32xf32, #tpu.memory_space<vmem>>) offsets(%dma_start3A_361 : memref<128xi32, #tpu.memory_space<vmem>>) semaphore(%arg15 : memref<!tpu.dma_semaphore, #tpu.memory_space<semaphore_mem>>)
      %dma_start3A_365 = arith.constant 896 : i32
      %dma_start3A_366 = arith.constant 0 : i32
      %dma_start3A_367 = tpu.memref_slice %arg8[%dma_start3A_365, %dma_start3A_366] : memref<1280x32xf32, #tpu.memory_space<vmem>> -> memref<128x32xf32, #tpu.memory_space<vmem>>
      %dma_start3A_368 = arith.constant 896 : i32
      %dma_start3A_369 = tpu.memref_slice %arg6[%dma_start3A_368] : memref<1280xi32, #tpu.memory_space<vmem>> -> memref<128xi32, #tpu.memory_space<vmem>>
      %dma_start3A_370 = arith.constant 0 : i32
      %dma_start3A_371 = arith.constant 0 : i32
      %dma_start3A_372 = tpu.memref_slice %arg2[%dma_start3A_370, %dma_start3A_371] : memref<1000000x32xf32, #tpu.memory_space<hbm>> -> memref<1000000x32xf32, #tpu.memory_space<hbm>>
      tpu.enqueue_indirect_dma source(%dma_start3A_372 : memref<1000000x32xf32, #tpu.memory_space<hbm>>) target(%dma_start3A_367 : memref<128x32xf32, #tpu.memory_space<vmem>>) offsets(%dma_start3A_369 : memref<128xi32, #tpu.memory_space<vmem>>) semaphore(%arg15 : memref<!tpu.dma_semaphore, #tpu.memory_space<semaphore_mem>>)
      %dma_start3A_373 = arith.constant 1024 : i32
      %dma_start3A_374 = arith.constant 0 : i32
      %dma_start3A_375 = tpu.memref_slice %arg8[%dma_start3A_373, %dma_start3A_374] : memref<1280x32xf32, #tpu.memory_space<vmem>> -> memref<128x32xf32, #tpu.memory_space<vmem>>
      %dma_start3A_376 = arith.constant 1024 : i32
      %dma_start3A_377 = tpu.memref_slice %arg6[%dma_start3A_376] : memref<1280xi32, #tpu.memory_space<vmem>> -> memref<128xi32, #tpu.memory_space<vmem>>
      %dma_start3A_378 = arith.constant 0 : i32
      %dma_start3A_379 = arith.constant 0 : i32
      %dma_start3A_380 = tpu.memref_slice %arg2[%dma_start3A_378, %dma_start3A_379] : memref<1000000x32xf32, #tpu.memory_space<hbm>> -> memref<1000000x32xf32, #tpu.memory_space<hbm>>
      tpu.enqueue_indirect_dma source(%dma_start3A_380 : memref<1000000x32xf32, #tpu.memory_space<hbm>>) target(%dma_start3A_375 : memref<128x32xf32, #tpu.memory_space<vmem>>) offsets(%dma_start3A_377 : memref<128xi32, #tpu.memory_space<vmem>>) semaphore(%arg15 : memref<!tpu.dma_semaphore, #tpu.memory_space<semaphore_mem>>)
      %dma_start3A_381 = arith.constant 1152 : i32
      %dma_start3A_382 = arith.constant 0 : i32
      %dma_start3A_383 = tpu.memref_slice %arg8[%dma_start3A_381, %dma_start3A_382] : memref<1280x32xf32, #tpu.memory_space<vmem>> -> memref<128x32xf32, #tpu.memory_space<vmem>>
      %dma_start3A_384 = arith.constant 1152 : i32
      %dma_start3A_385 = tpu.memref_slice %arg6[%dma_start3A_384] : memref<1280xi32, #tpu.memory_space<vmem>> -> memref<128xi32, #tpu.memory_space<vmem>>
      %dma_start3A_386 = arith.constant 0 : i32
      %dma_start3A_387 = arith.constant 0 : i32
      %dma_start3A_388 = tpu.memref_slice %arg2[%dma_start3A_386, %dma_start3A_387] : memref<1000000x32xf32, #tpu.memory_space<hbm>> -> memref<1000000x32xf32, #tpu.memory_space<hbm>>
      tpu.enqueue_indirect_dma source(%dma_start3A_388 : memref<1000000x32xf32, #tpu.memory_space<hbm>>) target(%dma_start3A_383 : memref<128x32xf32, #tpu.memory_space<vmem>>) offsets(%dma_start3A_385 : memref<128xi32, #tpu.memory_space<vmem>>) semaphore(%arg15 : memref<!tpu.dma_semaphore, #tpu.memory_space<semaphore_mem>>)
      %dma_wait3A_389 = arith.constant 0 : i32
      %dma_wait3A_390 = arith.constant 0 : i32
      %dma_wait3A_391 = tpu.memref_slice %arg5[%dma_wait3A_389, %dma_wait3A_390] : memref<106496x32xf32, #tpu.memory_space<hbm>> -> memref<1280x32xf32, #tpu.memory_space<hbm>>
      %dma_wait3A_392 = arith.constant 0 : i32
      %dma_wait3A_393 = arith.constant 0 : i32
      %dma_wait3A_394 = tpu.memref_slice %arg5[%dma_wait3A_392, %dma_wait3A_393] : memref<106496x32xf32, #tpu.memory_space<hbm>> -> memref<1280x32xf32, #tpu.memory_space<hbm>>
      tpu.wait_dma2 semaphore(%arg16 : memref<!tpu.dma_semaphore, #tpu.memory_space<semaphore_mem>>) src(%dma_wait3A_394 : memref<1280x32xf32, #tpu.memory_space<hbm>>) dst(%arg9 : memref<1280x32xf32, #tpu.memory_space<vmem>>)
      %mul3A_395 = arith.constant 64 : i32
      %mul3A_396 = arith.muli %min3A_304, %mul3A_395 : i32
      %add3A_397 = arith.addi %mul3A_2, %mul3A_396 : i32
      %mul3A_398 = arith.constant 20 : i32
      %mul3A_399 = arith.muli %add3A_397, %mul3A_398 : i32
      %dma_start3A_400 = tpu.memref_slice %arg3[%mul3A_399] : memref<2129920xi32, #tpu.memory_space<hbm>> -> memref<1280xi32, #tpu.memory_space<hbm>>
      %dma_start3A_401 = tpu.memref_slice %arg3[%mul3A_399] : memref<2129920xi32, #tpu.memory_space<hbm>> -> memref<1280xi32, #tpu.memory_space<hbm>>
      tpu.enqueue_dma source(%dma_start3A_401 : memref<1280xi32, #tpu.memory_space<hbm>>) target(%arg7 : memref<1280xi32, #tpu.memory_space<vmem>>) target_semaphore(%arg18 : memref<!tpu.dma_semaphore, #tpu.memory_space<semaphore_mem>>)
      %mul3A_402 = arith.constant 64 : i32
      %mul3A_403 = arith.muli %min3A_300, %mul3A_402 : i32
      %add3A_404 = arith.addi %mul3A_2, %mul3A_403 : i32
      "tpu.region"() ({
        %run_scoped3A = tpu.sem_alloc : memref<!tpu.dma_semaphore, #tpu.memory_space<semaphore_mem>>
        %dma_start3A_445 = tpu.memref_slice %arg4[%add3A_404] : memref<106496xi32, #tpu.memory_space<hbm>> -> memref<64xi32, #tpu.memory_space<hbm>>
        %dma_start3A_446 = tpu.memref_slice %arg4[%add3A_404] : memref<106496xi32, #tpu.memory_space<hbm>> -> memref<64xi32, #tpu.memory_space<hbm>>
        tpu.enqueue_dma source(%dma_start3A_446 : memref<64xi32, #tpu.memory_space<hbm>>) target(%arg10 : memref<64xi32, #tpu.memory_space<vmem>>) target_semaphore(%run_scoped3A : memref<!tpu.dma_semaphore, #tpu.memory_space<semaphore_mem>>)
        %dma_wait3A_447 = tpu.memref_slice %arg4[%add3A_404] : memref<106496xi32, #tpu.memory_space<hbm>> -> memref<64xi32, #tpu.memory_space<hbm>>
        %dma_wait3A_448 = tpu.memref_slice %arg4[%add3A_404] : memref<106496xi32, #tpu.memory_space<hbm>> -> memref<64xi32, #tpu.memory_space<hbm>>
        tpu.wait_dma2 semaphore(%run_scoped3A : memref<!tpu.dma_semaphore, #tpu.memory_space<semaphore_mem>>) src(%dma_wait3A_448 : memref<64xi32, #tpu.memory_space<hbm>>) dst(%arg10 : memref<64xi32, #tpu.memory_space<vmem>>)
        tpu.yield
      }) : () -> ()
      %get3A_405 = arith.constant 0 : index
      %get3A_406 = tpu.vector_load %arg10[%get3A_405] {strides = array<i32>} : memref<64xi32, #tpu.memory_space<vmem>>, vector<16xi32>,
      %convert_element_type3A_407 = arith.sitofp %get3A_406 : vector<16xi32> to vector<16xf32>
      %div3A_408 = arith.constant 1.000000e+00 : f32
      %div3A_409 = vector.broadcast %div3A_408 : f32 to vector<16xf32>
      %div3A_410 = arith.divf %div3A_409, %convert_element_type3A_407 : vector<16xf32>
      %swap3A_411 = arith.constant 0 : index
      %swap3A_412 = tpu.vector_load %arg12[%swap3A_411] {strides = array<i32>} : memref<64xf32, #tpu.memory_space<vmem>>, vector<16xf32>,
      tpu.vector_store %arg12[%swap3A_411], %div3A_410 {strides = array<i32>} : memref<64xf32, #tpu.memory_space<vmem>>, vector<16xf32>,
      %get3A_413 = arith.constant 16 : index
      %get3A_414 = tpu.vector_load %arg10[%get3A_413] {strides = array<i32>} : memref<64xi32, #tpu.memory_space<vmem>>, vector<16xi32>,
      %convert_element_type3A_415 = arith.sitofp %get3A_414 : vector<16xi32> to vector<16xf32>
      %div3A_416 = arith.constant 1.000000e+00 : f32
      %div3A_417 = vector.broadcast %div3A_416 : f32 to vector<16xf32>
      %div3A_418 = arith.divf %div3A_417, %convert_element_type3A_415 : vector<16xf32>
      %swap3A_419 = arith.constant 16 : index
      %swap3A_420 = tpu.vector_load %arg12[%swap3A_419] {strides = array<i32>} : memref<64xf32, #tpu.memory_space<vmem>>, vector<16xf32>,
      tpu.vector_store %arg12[%swap3A_419], %div3A_418 {strides = array<i32>} : memref<64xf32, #tpu.memory_space<vmem>>, vector<16xf32>,
      %get3A_421 = arith.constant 32 : index
      %get3A_422 = tpu.vector_load %arg10[%get3A_421] {strides = array<i32>} : memref<64xi32, #tpu.memory_space<vmem>>, vector<16xi32>,
      %convert_element_type3A_423 = arith.sitofp %get3A_422 : vector<16xi32> to vector<16xf32>
      %div3A_424 = arith.constant 1.000000e+00 : f32
      %div3A_425 = vector.broadcast %div3A_424 : f32 to vector<16xf32>
      %div3A_426 = arith.divf %div3A_425, %convert_element_type3A_423 : vector<16xf32>
      %swap3A_427 = arith.constant 32 : index
      %swap3A_428 = tpu.vector_load %arg12[%swap3A_427] {strides = array<i32>} : memref<64xf32, #tpu.memory_space<vmem>>, vector<16xf32>,
      tpu.vector_store %arg12[%swap3A_427], %div3A_426 {strides = array<i32>} : memref<64xf32, #tpu.memory_space<vmem>>, vector<16xf32>,
      %get3A_429 = arith.constant 48 : index
      %get3A_430 = tpu.vector_load %arg10[%get3A_429] {strides = array<i32>} : memref<64xi32, #tpu.memory_space<vmem>>, vector<16xi32>,
      %convert_element_type3A_431 = arith.sitofp %get3A_430 : vector<16xi32> to vector<16xf32>
      %div3A_432 = arith.constant 1.000000e+00 : f32
      %div3A_433 = vector.broadcast %div3A_432 : f32 to vector<16xf32>
      %div3A_434 = arith.divf %div3A_433, %convert_element_type3A_431 : vector<16xf32>
      %swap3A_435 = arith.constant 48 : index
      %swap3A_436 = tpu.vector_load %arg12[%swap3A_435] {strides = array<i32>} : memref<64xf32, #tpu.memory_space<vmem>>, vector<16xf32>,
      tpu.vector_store %arg12[%swap3A_435], %div3A_434 {strides = array<i32>} : memref<64xf32, #tpu.memory_space<vmem>>, vector<16xf32>,
      %mul3A_437 = arith.constant 64 : i32
      %mul3A_438 = arith.muli %add3A_296, %mul3A_437 : i32
      %add3A_439 = arith.addi %mul3A_2, %mul3A_438 : i32
      %scan3A_440 = arith.constant 0 : i32
      %scan3A_441 = arith.constant 64 : i32
      %scan3A_442 = arith.addi %scan3A_440, %scan3A_441 : i32
      %scan3A_443 = arith.constant 1 : i32
      scf.for %scan3A_445 = %scan3A_440 to %scan3A_442 step %scan3A_443  : i32 {
        %mul3A_446 = arith.constant 20 : i32
        %mul3A_447 = arith.muli %scan3A_445, %mul3A_446 : i32
        %get3A_448 = arith.index_cast %mul3A_447 : i32 to index
        %get3A_449 = arith.constant 0 : index
        %get3A_450 = tpu.vector_load %arg9[%get3A_448, %get3A_449] {strides = array<i32>} : memref<1280x32xf32, #tpu.memory_space<vmem>>, vector<16xf32>,
        %get3A_451 = arith.index_cast %mul3A_447 : i32 to index
        %get3A_452 = arith.constant 16 : index
        %get3A_453 = tpu.vector_load %arg9[%get3A_451, %get3A_452] {strides = array<i32>} : memref<1280x32xf32, #tpu.memory_space<vmem>>, vector<16xf32>,
        %add3A_454 = arith.constant 1 : i32
        %add3A_455 = arith.addi %mul3A_447, %add3A_454 : i32
        %get3A_456 = arith.index_cast %add3A_455 : i32 to index
        %get3A_457 = arith.constant 0 : index
        %get3A_458 = tpu.vector_load %arg9[%get3A_456, %get3A_457] {strides = array<i32>} : memref<1280x32xf32, #tpu.memory_space<vmem>>, vector<16xf32>,
        %add3A_459 = arith.addf %get3A_450, %get3A_458 : vector<16xf32>
        %add3A_460 = arith.constant 1 : i32
        %add3A_461 = arith.addi %mul3A_447, %add3A_460 : i32
        %get3A_462 = arith.index_cast %add3A_461 : i32 to index
        %get3A_463 = arith.constant 16 : index
        %get3A_464 = tpu.vector_load %arg9[%get3A_462, %get3A_463] {strides = array<i32>} : memref<1280x32xf32, #tpu.memory_space<vmem>>, vector<16xf32>,
        %add3A_465 = arith.addf %get3A_453, %get3A_464 : vector<16xf32>
        %add3A_466 = arith.constant 2 : i32
        %add3A_467 = arith.addi %mul3A_447, %add3A_466 : i32
        %get3A_468 = arith.index_cast %add3A_467 : i32 to index
        %get3A_469 = arith.constant 0 : index
        %get3A_470 = tpu.vector_load %arg9[%get3A_468, %get3A_469] {strides = array<i32>} : memref<1280x32xf32, #tpu.memory_space<vmem>>, vector<16xf32>,
        %add3A_471 = arith.addf %add3A_459, %get3A_470 : vector<16xf32>
        %add3A_472 = arith.constant 2 : i32
        %add3A_473 = arith.addi %mul3A_447, %add3A_472 : i32
        %get3A_474 = arith.index_cast %add3A_473 : i32 to index
        %get3A_475 = arith.constant 16 : index
        %get3A_476 = tpu.vector_load %arg9[%get3A_474, %get3A_475] {strides = array<i32>} : memref<1280x32xf32, #tpu.memory_space<vmem>>, vector<16xf32>,
        %add3A_477 = arith.addf %add3A_465, %get3A_476 : vector<16xf32>
        %add3A_478 = arith.constant 3 : i32
        %add3A_479 = arith.addi %mul3A_447, %add3A_478 : i32
        %get3A_480 = arith.index_cast %add3A_479 : i32 to index
        %get3A_481 = arith.constant 0 : index
        %get3A_482 = tpu.vector_load %arg9[%get3A_480, %get3A_481] {strides = array<i32>} : memref<1280x32xf32, #tpu.memory_space<vmem>>, vector<16xf32>,
        %add3A_483 = arith.addf %add3A_471, %get3A_482 : vector<16xf32>
        %add3A_484 = arith.constant 3 : i32
        %add3A_485 = arith.addi %mul3A_447, %add3A_484 : i32
        %get3A_486 = arith.index_cast %add3A_485 : i32 to index
        %get3A_487 = arith.constant 16 : index
        %get3A_488 = tpu.vector_load %arg9[%get3A_486, %get3A_487] {strides = array<i32>} : memref<1280x32xf32, #tpu.memory_space<vmem>>, vector<16xf32>,
        %add3A_489 = arith.addf %add3A_477, %get3A_488 : vector<16xf32>
        %add3A_490 = arith.constant 4 : i32
        %add3A_491 = arith.addi %mul3A_447, %add3A_490 : i32
        %get3A_492 = arith.index_cast %add3A_491 : i32 to index
        %get3A_493 = arith.constant 0 : index
        %get3A_494 = tpu.vector_load %arg9[%get3A_492, %get3A_493] {strides = array<i32>} : memref<1280x32xf32, #tpu.memory_space<vmem>>, vector<16xf32>,
        %add3A_495 = arith.addf %add3A_483, %get3A_494 : vector<16xf32>
        %add3A_496 = arith.constant 4 : i32
        %add3A_497 = arith.addi %mul3A_447, %add3A_496 : i32
        %get3A_498 = arith.index_cast %add3A_497 : i32 to index
        %get3A_499 = arith.constant 16 : index
        %get3A_500 = tpu.vector_load %arg9[%get3A_498, %get3A_499] {strides = array<i32>} : memref<1280x32xf32, #tpu.memory_space<vmem>>, vector<16xf32>,
        %add3A_501 = arith.addf %add3A_489, %get3A_500 : vector<16xf32>
        %add3A_502 = arith.constant 5 : i32
        %add3A_503 = arith.addi %mul3A_447, %add3A_502 : i32
        %get3A_504 = arith.index_cast %add3A_503 : i32 to index
        %get3A_505 = arith.constant 0 : index
        %get3A_506 = tpu.vector_load %arg9[%get3A_504, %get3A_505] {strides = array<i32>} : memref<1280x32xf32, #tpu.memory_space<vmem>>, vector<16xf32>,
        %add3A_507 = arith.addf %add3A_495, %get3A_506 : vector<16xf32>
        %add3A_508 = arith.constant 5 : i32
        %add3A_509 = arith.addi %mul3A_447, %add3A_508 : i32
        %get3A_510 = arith.index_cast %add3A_509 : i32 to index
        %get3A_511 = arith.constant 16 : index
        %get3A_512 = tpu.vector_load %arg9[%get3A_510, %get3A_511] {strides = array<i32>} : memref<1280x32xf32, #tpu.memory_space<vmem>>, vector<16xf32>,
        %add3A_513 = arith.addf %add3A_501, %get3A_512 : vector<16xf32>
        %add3A_514 = arith.constant 6 : i32
        %add3A_515 = arith.addi %mul3A_447, %add3A_514 : i32
        %get3A_516 = arith.index_cast %add3A_515 : i32 to index
        %get3A_517 = arith.constant 0 : index
        %get3A_518 = tpu.vector_load %arg9[%get3A_516, %get3A_517] {strides = array<i32>} : memref<1280x32xf32, #tpu.memory_space<vmem>>, vector<16xf32>,
        %add3A_519 = arith.addf %add3A_507, %get3A_518 : vector<16xf32>
        %add3A_520 = arith.constant 6 : i32
        %add3A_521 = arith.addi %mul3A_447, %add3A_520 : i32
        %get3A_522 = arith.index_cast %add3A_521 : i32 to index
        %get3A_523 = arith.constant 16 : index
        %get3A_524 = tpu.vector_load %arg9[%get3A_522, %get3A_523] {strides = array<i32>} : memref<1280x32xf32, #tpu.memory_space<vmem>>, vector<16xf32>,
        %add3A_525 = arith.addf %add3A_513, %get3A_524 : vector<16xf32>
        %add3A_526 = arith.constant 7 : i32
        %add3A_527 = arith.addi %mul3A_447, %add3A_526 : i32
        %get3A_528 = arith.index_cast %add3A_527 : i32 to index
        %get3A_529 = arith.constant 0 : index
        %get3A_530 = tpu.vector_load %arg9[%get3A_528, %get3A_529] {strides = array<i32>} : memref<1280x32xf32, #tpu.memory_space<vmem>>, vector<16xf32>,
        %add3A_531 = arith.addf %add3A_519, %get3A_530 : vector<16xf32>
        %add3A_532 = arith.constant 7 : i32
        %add3A_533 = arith.addi %mul3A_447, %add3A_532 : i32
        %get3A_534 = arith.index_cast %add3A_533 : i32 to index
        %get3A_535 = arith.constant 16 : index
        %get3A_536 = tpu.vector_load %arg9[%get3A_534, %get3A_535] {strides = array<i32>} : memref<1280x32xf32, #tpu.memory_space<vmem>>, vector<16xf32>,
        %add3A_537 = arith.addf %add3A_525, %get3A_536 : vector<16xf32>
        %add3A_538 = arith.constant 8 : i32
        %add3A_539 = arith.addi %mul3A_447, %add3A_538 : i32
        %get3A_540 = arith.index_cast %add3A_539 : i32 to index
        %get3A_541 = arith.constant 0 : index
        %get3A_542 = tpu.vector_load %arg9[%get3A_540, %get3A_541] {strides = array<i32>} : memref<1280x32xf32, #tpu.memory_space<vmem>>, vector<16xf32>,
        %add3A_543 = arith.addf %add3A_531, %get3A_542 : vector<16xf32>
        %add3A_544 = arith.constant 8 : i32
        %add3A_545 = arith.addi %mul3A_447, %add3A_544 : i32
        %get3A_546 = arith.index_cast %add3A_545 : i32 to index
        %get3A_547 = arith.constant 16 : index
        %get3A_548 = tpu.vector_load %arg9[%get3A_546, %get3A_547] {strides = array<i32>} : memref<1280x32xf32, #tpu.memory_space<vmem>>, vector<16xf32>,
        %add3A_549 = arith.addf %add3A_537, %get3A_548 : vector<16xf32>
        %add3A_550 = arith.constant 9 : i32
        %add3A_551 = arith.addi %mul3A_447, %add3A_550 : i32
        %get3A_552 = arith.index_cast %add3A_551 : i32 to index
        %get3A_553 = arith.constant 0 : index
        %get3A_554 = tpu.vector_load %arg9[%get3A_552, %get3A_553] {strides = array<i32>} : memref<1280x32xf32, #tpu.memory_space<vmem>>, vector<16xf32>,
        %add3A_555 = arith.addf %add3A_543, %get3A_554 : vector<16xf32>
        %add3A_556 = arith.constant 9 : i32
        %add3A_557 = arith.addi %mul3A_447, %add3A_556 : i32
        %get3A_558 = arith.index_cast %add3A_557 : i32 to index
        %get3A_559 = arith.constant 16 : index
        %get3A_560 = tpu.vector_load %arg9[%get3A_558, %get3A_559] {strides = array<i32>} : memref<1280x32xf32, #tpu.memory_space<vmem>>, vector<16xf32>,
        %add3A_561 = arith.addf %add3A_549, %get3A_560 : vector<16xf32>
        %add3A_562 = arith.constant 10 : i32
        %add3A_563 = arith.addi %mul3A_447, %add3A_562 : i32
        %get3A_564 = arith.index_cast %add3A_563 : i32 to index
        %get3A_565 = arith.constant 0 : index
        %get3A_566 = tpu.vector_load %arg9[%get3A_564, %get3A_565] {strides = array<i32>} : memref<1280x32xf32, #tpu.memory_space<vmem>>, vector<16xf32>,
        %add3A_567 = arith.addf %add3A_555, %get3A_566 : vector<16xf32>
        %add3A_568 = arith.constant 10 : i32
        %add3A_569 = arith.addi %mul3A_447, %add3A_568 : i32
        %get3A_570 = arith.index_cast %add3A_569 : i32 to index
        %get3A_571 = arith.constant 16 : index
        %get3A_572 = tpu.vector_load %arg9[%get3A_570, %get3A_571] {strides = array<i32>} : memref<1280x32xf32, #tpu.memory_space<vmem>>, vector<16xf32>,
        %add3A_573 = arith.addf %add3A_561, %get3A_572 : vector<16xf32>
        %add3A_574 = arith.constant 11 : i32
        %add3A_575 = arith.addi %mul3A_447, %add3A_574 : i32
        %get3A_576 = arith.index_cast %add3A_575 : i32 to index
        %get3A_577 = arith.constant 0 : index
        %get3A_578 = tpu.vector_load %arg9[%get3A_576, %get3A_577] {strides = array<i32>} : memref<1280x32xf32, #tpu.memory_space<vmem>>, vector<16xf32>,
        %add3A_579 = arith.addf %add3A_567, %get3A_578 : vector<16xf32>
        %add3A_580 = arith.constant 11 : i32
        %add3A_581 = arith.addi %mul3A_447, %add3A_580 : i32
        %get3A_582 = arith.index_cast %add3A_581 : i32 to index
        %get3A_583 = arith.constant 16 : index
        %get3A_584 = tpu.vector_load %arg9[%get3A_582, %get3A_583] {strides = array<i32>} : memref<1280x32xf32, #tpu.memory_space<vmem>>, vector<16xf32>,
        %add3A_585 = arith.addf %add3A_573, %get3A_584 : vector<16xf32>
        %add3A_586 = arith.constant 12 : i32
        %add3A_587 = arith.addi %mul3A_447, %add3A_586 : i32
        %get3A_588 = arith.index_cast %add3A_587 : i32 to index
        %get3A_589 = arith.constant 0 : index
        %get3A_590 = tpu.vector_load %arg9[%get3A_588, %get3A_589] {strides = array<i32>} : memref<1280x32xf32, #tpu.memory_space<vmem>>, vector<16xf32>,
        %add3A_591 = arith.addf %add3A_579, %get3A_590 : vector<16xf32>
        %add3A_592 = arith.constant 12 : i32
        %add3A_593 = arith.addi %mul3A_447, %add3A_592 : i32
        %get3A_594 = arith.index_cast %add3A_593 : i32 to index
        %get3A_595 = arith.constant 16 : index
        %get3A_596 = tpu.vector_load %arg9[%get3A_594, %get3A_595] {strides = array<i32>} : memref<1280x32xf32, #tpu.memory_space<vmem>>, vector<16xf32>,
        %add3A_597 = arith.addf %add3A_585, %get3A_596 : vector<16xf32>
        %add3A_598 = arith.constant 13 : i32
        %add3A_599 = arith.addi %mul3A_447, %add3A_598 : i32
        %get3A_600 = arith.index_cast %add3A_599 : i32 to index
        %get3A_601 = arith.constant 0 : index
        %get3A_602 = tpu.vector_load %arg9[%get3A_600, %get3A_601] {strides = array<i32>} : memref<1280x32xf32, #tpu.memory_space<vmem>>, vector<16xf32>,
        %add3A_603 = arith.addf %add3A_591, %get3A_602 : vector<16xf32>
        %add3A_604 = arith.constant 13 : i32
        %add3A_605 = arith.addi %mul3A_447, %add3A_604 : i32
        %get3A_606 = arith.index_cast %add3A_605 : i32 to index
        %get3A_607 = arith.constant 16 : index
        %get3A_608 = tpu.vector_load %arg9[%get3A_606, %get3A_607] {strides = array<i32>} : memref<1280x32xf32, #tpu.memory_space<vmem>>, vector<16xf32>,
        %add3A_609 = arith.addf %add3A_597, %get3A_608 : vector<16xf32>
        %add3A_610 = arith.constant 14 : i32
        %add3A_611 = arith.addi %mul3A_447, %add3A_610 : i32
        %get3A_612 = arith.index_cast %add3A_611 : i32 to index
        %get3A_613 = arith.constant 0 : index
        %get3A_614 = tpu.vector_load %arg9[%get3A_612, %get3A_613] {strides = array<i32>} : memref<1280x32xf32, #tpu.memory_space<vmem>>, vector<16xf32>,
        %add3A_615 = arith.addf %add3A_603, %get3A_614 : vector<16xf32>
        %add3A_616 = arith.constant 14 : i32
        %add3A_617 = arith.addi %mul3A_447, %add3A_616 : i32
        %get3A_618 = arith.index_cast %add3A_617 : i32 to index
        %get3A_619 = arith.constant 16 : index
        %get3A_620 = tpu.vector_load %arg9[%get3A_618, %get3A_619] {strides = array<i32>} : memref<1280x32xf32, #tpu.memory_space<vmem>>, vector<16xf32>,
        %add3A_621 = arith.addf %add3A_609, %get3A_620 : vector<16xf32>
        %add3A_622 = arith.constant 15 : i32
        %add3A_623 = arith.addi %mul3A_447, %add3A_622 : i32
        %get3A_624 = arith.index_cast %add3A_623 : i32 to index
        %get3A_625 = arith.constant 0 : index
        %get3A_626 = tpu.vector_load %arg9[%get3A_624, %get3A_625] {strides = array<i32>} : memref<1280x32xf32, #tpu.memory_space<vmem>>, vector<16xf32>,
        %add3A_627 = arith.addf %add3A_615, %get3A_626 : vector<16xf32>
        %add3A_628 = arith.constant 15 : i32
        %add3A_629 = arith.addi %mul3A_447, %add3A_628 : i32
        %get3A_630 = arith.index_cast %add3A_629 : i32 to index
        %get3A_631 = arith.constant 16 : index
        %get3A_632 = tpu.vector_load %arg9[%get3A_630, %get3A_631] {strides = array<i32>} : memref<1280x32xf32, #tpu.memory_space<vmem>>, vector<16xf32>,
        %add3A_633 = arith.addf %add3A_621, %get3A_632 : vector<16xf32>
        %add3A_634 = arith.constant 16 : i32
        %add3A_635 = arith.addi %mul3A_447, %add3A_634 : i32
        %get3A_636 = arith.index_cast %add3A_635 : i32 to index
        %get3A_637 = arith.constant 0 : index
        %get3A_638 = tpu.vector_load %arg9[%get3A_636, %get3A_637] {strides = array<i32>} : memref<1280x32xf32, #tpu.memory_space<vmem>>, vector<16xf32>,
        %add3A_639 = arith.addf %add3A_627, %get3A_638 : vector<16xf32>
        %add3A_640 = arith.constant 16 : i32
        %add3A_641 = arith.addi %mul3A_447, %add3A_640 : i32
        %get3A_642 = arith.index_cast %add3A_641 : i32 to index
        %get3A_643 = arith.constant 16 : index
        %get3A_644 = tpu.vector_load %arg9[%get3A_642, %get3A_643] {strides = array<i32>} : memref<1280x32xf32, #tpu.memory_space<vmem>>, vector<16xf32>,
        %add3A_645 = arith.addf %add3A_633, %get3A_644 : vector<16xf32>
        %add3A_646 = arith.constant 17 : i32
        %add3A_647 = arith.addi %mul3A_447, %add3A_646 : i32
        %get3A_648 = arith.index_cast %add3A_647 : i32 to index
        %get3A_649 = arith.constant 0 : index
        %get3A_650 = tpu.vector_load %arg9[%get3A_648, %get3A_649] {strides = array<i32>} : memref<1280x32xf32, #tpu.memory_space<vmem>>, vector<16xf32>,
        %add3A_651 = arith.addf %add3A_639, %get3A_650 : vector<16xf32>
        %add3A_652 = arith.constant 17 : i32
        %add3A_653 = arith.addi %mul3A_447, %add3A_652 : i32
        %get3A_654 = arith.index_cast %add3A_653 : i32 to index
        %get3A_655 = arith.constant 16 : index
        %get3A_656 = tpu.vector_load %arg9[%get3A_654, %get3A_655] {strides = array<i32>} : memref<1280x32xf32, #tpu.memory_space<vmem>>, vector<16xf32>,
        %add3A_657 = arith.addf %add3A_645, %get3A_656 : vector<16xf32>
        %add3A_658 = arith.constant 18 : i32
        %add3A_659 = arith.addi %mul3A_447, %add3A_658 : i32
        %get3A_660 = arith.index_cast %add3A_659 : i32 to index
        %get3A_661 = arith.constant 0 : index
        %get3A_662 = tpu.vector_load %arg9[%get3A_660, %get3A_661] {strides = array<i32>} : memref<1280x32xf32, #tpu.memory_space<vmem>>, vector<16xf32>,
        %add3A_663 = arith.addf %add3A_651, %get3A_662 : vector<16xf32>
        %add3A_664 = arith.constant 18 : i32
        %add3A_665 = arith.addi %mul3A_447, %add3A_664 : i32
        %get3A_666 = arith.index_cast %add3A_665 : i32 to index
        %get3A_667 = arith.constant 16 : index
        %get3A_668 = tpu.vector_load %arg9[%get3A_666, %get3A_667] {strides = array<i32>} : memref<1280x32xf32, #tpu.memory_space<vmem>>, vector<16xf32>,
        %add3A_669 = arith.addf %add3A_657, %get3A_668 : vector<16xf32>
        %add3A_670 = arith.constant 19 : i32
        %add3A_671 = arith.addi %mul3A_447, %add3A_670 : i32
        %get3A_672 = arith.index_cast %add3A_671 : i32 to index
        %get3A_673 = arith.constant 0 : index
        %get3A_674 = tpu.vector_load %arg9[%get3A_672, %get3A_673] {strides = array<i32>} : memref<1280x32xf32, #tpu.memory_space<vmem>>, vector<16xf32>,
        %add3A_675 = arith.addf %add3A_663, %get3A_674 : vector<16xf32>
        %add3A_676 = arith.constant 19 : i32
        %add3A_677 = arith.addi %mul3A_447, %add3A_676 : i32
        %get3A_678 = arith.index_cast %add3A_677 : i32 to index
        %get3A_679 = arith.constant 16 : index
        %get3A_680 = tpu.vector_load %arg9[%get3A_678, %get3A_679] {strides = array<i32>} : memref<1280x32xf32, #tpu.memory_space<vmem>>, vector<16xf32>,
        %add3A_681 = arith.addf %add3A_669, %get3A_680 : vector<16xf32>
        %broadcast_in_dim3A = vector.broadcast %scan3A_445 : i32 to vector<16xi32>
        %gather3A = tpu.vector_load_idx %arg13[%broadcast_in_dim3A] : memref<64xf32, #tpu.memory_space<vmem>>[vector<16xi32>], vector<16xf32>,
        %mul3A_682 = arith.mulf %add3A_675, %gather3A : vector<16xf32>
        %swap3A_683 = arith.index_cast %scan3A_445 : i32 to index
        %swap3A_684 = arith.constant 0 : index
        %swap3A_685 = tpu.vector_load %arg14[%swap3A_683, %swap3A_684] {strides = array<i32>} : memref<64x32xf32, #tpu.memory_space<vmem>>, vector<16xf32>,
        tpu.vector_store %arg14[%swap3A_683, %swap3A_684], %mul3A_682 {strides = array<i32>} : memref<64x32xf32, #tpu.memory_space<vmem>>, vector<16xf32>,
        %mul3A_686 = arith.mulf %add3A_681, %gather3A : vector<16xf32>
        %swap3A_687 = arith.index_cast %scan3A_445 : i32 to index
        %swap3A_688 = arith.constant 16 : index
        %swap3A_689 = tpu.vector_load %arg14[%swap3A_687, %swap3A_688] {strides = array<i32>} : memref<64x32xf32, #tpu.memory_space<vmem>>, vector<16xf32>,
        tpu.vector_store %arg14[%swap3A_687, %swap3A_688], %mul3A_686 {strides = array<i32>} : memref<64x32xf32, #tpu.memory_space<vmem>>, vector<16xf32>,
      }
      %scan3A_444 = arith.constant 64 : i32
      "tpu.region"() ({
        %run_scoped3A = tpu.sem_alloc : memref<!tpu.dma_semaphore, #tpu.memory_space<semaphore_mem>>
        %dma_start3A_445 = arith.constant 0 : i32
        %dma_start3A_446 = tpu.memref_slice %arg5[%add3A_439, %dma_start3A_445] : memref<106496x32xf32, #tpu.memory_space<hbm>> -> memref<64x32xf32, #tpu.memory_space<hbm>>
        %dma_start3A_447 = arith.constant 0 : i32
        %dma_start3A_448 = tpu.memref_slice %arg5[%add3A_439, %dma_start3A_447] : memref<106496x32xf32, #tpu.memory_space<hbm>> -> memref<64x32xf32, #tpu.memory_space<hbm>>
        tpu.enqueue_dma source(%arg14 : memref<64x32xf32, #tpu.memory_space<vmem>>) target(%dma_start3A_448 : memref<64x32xf32, #tpu.memory_space<hbm>>) target_semaphore(%run_scoped3A : memref<!tpu.dma_semaphore, #tpu.memory_space<semaphore_mem>>)
        %dma_wait3A_449 = arith.constant 0 : i32
        %dma_wait3A_450 = tpu.memref_slice %arg5[%add3A_439, %dma_wait3A_449] : memref<106496x32xf32, #tpu.memory_space<hbm>> -> memref<64x32xf32, #tpu.memory_space<hbm>>
        %dma_wait3A_451 = arith.constant 0 : i32
        %dma_wait3A_452 = tpu.memref_slice %arg5[%add3A_439, %dma_wait3A_451] : memref<106496x32xf32, #tpu.memory_space<hbm>> -> memref<64x32xf32, #tpu.memory_space<hbm>>
        tpu.wait_dma2 semaphore(%run_scoped3A : memref<!tpu.dma_semaphore, #tpu.memory_space<semaphore_mem>>) src(%arg14 : memref<64x32xf32, #tpu.memory_space<vmem>>) dst(%dma_wait3A_452 : memref<64x32xf32, #tpu.memory_space<hbm>>)
        tpu.yield
      }) : () -> ()
    }
    %scan3A_130 = arith.constant 26 : i32
    %dma_wait3A_131 = arith.constant 0 : i32
    %dma_wait3A_132 = arith.constant 0 : i32
    %dma_wait3A_133 = tpu.memref_slice %arg5[%dma_wait3A_131, %dma_wait3A_132] : memref<106496x32xf32, #tpu.memory_space<hbm>> -> memref<1280x32xf32, #tpu.memory_space<hbm>>
    %dma_wait3A_134 = arith.constant 0 : i32
    %dma_wait3A_135 = arith.constant 0 : i32
    %dma_wait3A_136 = tpu.memref_slice %arg5[%dma_wait3A_134, %dma_wait3A_135] : memref<106496x32xf32, #tpu.memory_space<hbm>> -> memref<1280x32xf32, #tpu.memory_space<hbm>>
    tpu.wait_dma2 semaphore(%arg15 : memref<!tpu.dma_semaphore, #tpu.memory_space<semaphore_mem>>) src(%dma_wait3A_136 : memref<1280x32xf32, #tpu.memory_space<hbm>>) dst(%arg8 : memref<1280x32xf32, #tpu.memory_space<vmem>>)
    %dma_wait3A_137 = arith.constant 0 : i32
    %dma_wait3A_138 = tpu.memref_slice %arg3[%dma_wait3A_137] : memref<2129920xi32, #tpu.memory_space<hbm>> -> memref<1280xi32, #tpu.memory_space<hbm>>
    %dma_wait3A_139 = arith.constant 0 : i32
    %dma_wait3A_140 = tpu.memref_slice %arg3[%dma_wait3A_139] : memref<2129920xi32, #tpu.memory_space<hbm>> -> memref<1280xi32, #tpu.memory_space<hbm>>
    tpu.wait_dma2 semaphore(%arg18 : memref<!tpu.dma_semaphore, #tpu.memory_space<semaphore_mem>>) src(%dma_wait3A_140 : memref<1280xi32, #tpu.memory_space<hbm>>) dst(%arg7 : memref<1280xi32, #tpu.memory_space<vmem>>)
    return
  }
}

</mosaic_0001>

<sc_bundles>
// kernel: _dyemb.3.cloned.1.call-start
scs
__scs_entry_jumppad:
0x0: {  	(pc) =	sbr.rel $0x88, $3  }
0x1: {  	(tag) =	ssettag $0x0;
	lr =	simm.s32 $0x1  }
0x2: {  	[smem:$0x3F9E] =	sst lr;
	_ =	strace $0xD0000000  }
0x3: {  	_ = 	snop  }
0x4: {  	_ = 	snop  }
0x5: {  	_ = 	snop  }
0x6: {  	_ = 	snop  }
0x7: {  	_ = 	snop  }
__scs_overlays_trampoline_lowered:
0x8: {  	[smem:$0x3FAD] =	sst s0  }
0x9: {  	[smem:$0x3FAE] =	sst s1  }
0xa: {  	[smem:$0x3FAF] =	sst s2  }
0xb: {  	[smem:$0x3FB0] =	sst s3  }
0xc: {  	[smem:$0x3FB1] =	sst s4  }
0xd: {  	[smem:$0x3FB2] =	sst s5  }
0xe: {  	[smem:$0x3FB3] =	sst s6  }
0xf: {  	[smem:$0x3FB4] =	sst s7  }
0x10: {  	[smem:$0x3FB5] =	sst s8  }
0x11: {  	[smem:$0x3FB6] =	sst s9;
	s0 =	simm.s32 @!p0 $0x0  }
0x12: {  	s1 =	sld [smem:$0x3F9C];
	s0 =	simm.s32 @p0 $0x1  }
0x13: {  	[smem:$0x3FB7] =	sst s0;
	s0 =	simm.s32 @!p1 $0x0  }
0x14: {  	s2 =	sld [smem:$0x3F9B];
	s0 =	simm.s32 @p1 $0x1  }
0x15: {  	[smem:$0x3FB8] =	sst s0;
	s0 =	simm.s32 @!p2 $0x0  }
0x16: {  	s3 =	sld [smem:$0x3FDB];
	s0 =	simm.s32 @p2 $0x1  }
0x17: {  	s4 =	simm.s32 $0x1BF5;
	[smem:$0x3FBA] =	sst s0  }
0x18: {  	s0 =	sld [smem:$0x3F9D];
	_ =	swait.ge [sflag:s4], $0x0  }
0x19: {  	s7 =	sld [smem:$0x3F9E]  }
0x1a: {  	s8 =	sadd.s32 $0xFFFFE003, lr  }
0x1b: {  	s9 =	sadd.s32 $0xFFFFFEF7, lr;
	s5 =	simm.s32 $0xFFFFFFFF;
	p2 =	slt.u32 s8, $0xFFFFF086  }
0x1c: {  	p1 =	slt.u32 s9, $0xF7A;
	s5 =	simm.s32 @!p2 $0x0  }
0x1d: {  	s5 =	simm.s32 @p1 $0x1;
	p0 =	seq.s32 s7, s2  }
0x1e: {  	s7 =	smul.u32 @!p0 $0xF7A, s2;
	p2 =	seq.s32 @!p0 s5, $0x0  }
0x1f: {  	s9 =	smul.u32 $0xF7A, s1;
	s8 =	simm.s32 @!p0 $0x1BF5;
	p2 =	por !p2, p0  }
0x20: {  	[sflag:s8] =	ssyncset.s32 @!p0 $0xFFFFF086;
	s6 =	sadd.s32 @!p0 s3, s7;
	s7 =	simm.s32 @!p0 $0x108  }
0x21: {  	s3 =	sadd.s32 s3, s9;
	s6 =	sadd.s32 @!p0 $0x88, s6;
	s7 =	simm.s32 @p2 $0x1082  }
0x22: {  	[simem:s7], [sflag:s8] =	dma.local @!p0 [hbm:s6], $0xF7A  }
0x23: {  	s9 =	sor.u32 $0xD0000000, s2;
	s6 =	simm.s32 $0x108;
	_ =	swait.ge @!p0 [sflag:s8], $0x0  }
0x24: {  	s3 =	sadd.s32 $0x88, s3;
	s6 =	simm.s32 @!p1 $0x1082;
	[sflag:s4] =	ssyncset.s32 $0xFFFFF086  }
0x25: {  	[simem:s6], [sflag:s4] =	dma.local [hbm:s3], $0xF7A  }
0x26: {  	[smem:$0x3F9E] =	sst s1;
	(tag) =	ssettag s2;
	_ =	strace s9  }
0x27: {  	s1 =	sld [smem:$0x3FAE]  }
0x28: {  	s2 =	sld [smem:$0x3FAF]  }
0x29: {  	s4 =	sld [smem:$0x3FB1]  }
0x2a: {  	p0 =	seq.s32 s5, $0x0;
	s5 =	sld [smem:$0x3FB2]  }
0x2b: {  	s6 =	sld [smem:$0x3FB3]  }
0x2c: {  	s7 =	sld [smem:$0x3FB4]  }
0x2d: {  	s3 =	simm.s32 $0x108;
	s8 =	sld [smem:$0x3FB5]  }
0x2e: {  	s3 =	simm.s32 @!p0 $0x1082;
	s9 =	sld [smem:$0x3FB6]  }
0x2f: {  	lr =	sadd.s32 s0, s3;
	s0 =	sld [smem:$0x3FAD]  }
0x30: {  	s3 =	sld [smem:$0x3FB0]  }
0x31: {  	[smem:$0x3FB9] =	sst s10  }
0x32: {  	s10 =	sld [smem:$0x3FB7];
	_ =	sdelay $0x3  }
0x33: {  	p0 =	seq.s32 s10, $0x1;
	s10 =	sld [smem:$0x3FB9];
	_ =	sdelay $0x3  }
0x34: {  	[smem:$0x3FB9] =	sst s10  }
0x35: {  	s10 =	sld [smem:$0x3FB8];
	_ =	sdelay $0x3  }
0x36: {  	p1 =	seq.s32 s10, $0x1;
	s10 =	sld [smem:$0x3FB9];
	_ =	sdelay $0x3  }
0x37: {  	[smem:$0x3FB9] =	sst s10  }
0x38: {  	s10 =	sld [smem:$0x3FBA]  }
0x39: {  	_ = 	snop;
	(pc) =	sbr.ind lr, $3  }
0x3a: {  	_ = 	snop  }
0x3b: {  	_ = 	snop  }
0x3c: {  	p2 =	seq.s32 s10, $0x1;
	s10 =	sld [smem:$0x3FB9]  }
0x3d: {  	_ =	shalt  }
0x3e: {  	_ =	shalt  }
0x3f: {  	_ =	shalt  }
0x40: {  	_ =	shalt  }
0x41: {  	_ =	shalt  }
0x42: {  	_ =	shalt  }
0x43: {  	_ =	shalt  }
0x44: {  	_ =	shalt  }
0x45: {  	_ =	shalt  }
0x46: {  	_ =	shalt  }
0x47: {  	_ =	shalt  }
0x48: {  	_ =	shalt  }
0x49: {  	_ =	shalt  }
0x4a: {  	_ =	shalt  }
0x4b: {  	_ =	shalt  }
0x4c: {  	_ =	shalt  }
0x4d: {  	_ =	shalt  }
0x4e: {  	_ =	shalt  }
0x4f: {  	_ =	shalt  }
0x50: {  	_ =	shalt  }
0x51: {  	_ =	shalt  }
0x52: {  	_ =	shalt  }
0x53: {  	_ =	shalt  }
0x54: {  	_ =	shalt  }
0x55: {  	_ =	shalt  }
0x56: {  	_ =	shalt  }
0x57: {  	_ =	shalt  }
0x58: {  	_ =	shalt  }
0x59: {  	_ =	shalt  }
0x5a: {  	_ =	shalt  }
0x5b: {  	_ =	shalt  }
0x5c: {  	_ =	shalt  }
0x5d: {  	_ =	shalt  }
0x5e: {  	_ =	shalt  }
0x5f: {  	_ =	shalt  }
0x60: {  	_ =	shalt  }
0x61: {  	_ =	shalt  }
0x62: {  	_ =	shalt  }
0x63: {  	_ =	shalt  }
0x64: {  	_ =	shalt  }
0x65: {  	_ =	shalt  }
0x66: {  	_ =	shalt  }
0x67: {  	_ =	shalt  }
0x68: {  	_ =	shalt  }
0x69: {  	_ =	shalt  }
0x6a: {  	_ =	shalt  }
0x6b: {  	_ =	shalt  }
0x6c: {  	_ =	shalt  }
0x6d: {  	_ =	shalt  }
0x6e: {  	_ =	shalt  }
0x6f: {  	_ =	shalt  }
0x70: {  	_ =	shalt  }
0x71: {  	_ =	shalt  }
0x72: {  	_ =	shalt  }
0x73: {  	_ =	shalt  }
0x74: {  	_ =	shalt  }
0x75: {  	_ =	shalt  }
0x76: {  	_ =	shalt  }
0x77: {  	_ =	shalt  }
0x78: {  	_ =	shalt  }
0x79: {  	_ =	shalt  }
0x7a: {  	_ =	shalt  }
0x7b: {  	_ =	shalt  }
0x7c: {  	_ =	shalt  }
0x7d: {  	_ =	shalt  }
0x7e: {  	_ =	shalt  }
0x7f: {  	_ =	shalt  }
0x80: {  	_ =	shalt  }
0x81: {  	_ =	shalt  }
0x82: {  	_ =	shalt  }
0x83: {  	_ =	shalt  }
0x84: {  	_ =	shalt  }
0x85: {  	_ =	shalt  }
0x86: {  	_ =	shalt  }
0x87: {  	_ =	shalt  }
.Lfunc_end0:
.L_simem_size_0:
called_computation_lowered:
.L_overlay_start_0:
0x88: {  	s2 =	sld [smem:$0x3FD9]  }
0x89: {  	s3 =	sld [smem:$0x3FFE];
	_ =	sdelay $0x1  }
0x8a: {  	s1 =	srdreg.scid  }
0x8b: {  	s0 =	sand.u32 $0x1, s1  }
0x8c: {  	s17 =	sshll.u32 s0, $0xA;
	s2 =	sadd.s32 s3, s2  }
0x8d: {  	s2 =	sadd.s32 s2, s17  }
0x8e: {  	[smem:$0x3FC5] =	sst s2  }
0x8f: {  	_ = 	snop  }
0x90: {  	s2 =	sld [smem:$0x3FC8]  }
0x91: {  	s18 =	sld [smem:$0x3FC7]  }
0x92: {  	s4 =	sld [smem:$0x3FD0];
	(tm) =	ssettm $0x1  }
0x93: {  	s5 =	sld [smem:$0x3FFB];
	_ =	sdelay $0x3  }
0x94: {  	_ =	strace s5  }
0x95: {  	s5 =	sld [smem:$0x3FFC];
	_ =	sdelay $0x3  }
0x96: {  	_ =	strace s5  }
0x97: {  	s5 =	sld [smem:$0x3FFD];
	_ =	sdelay $0x3  }
0x98: {  	_ =	strace s5  }
0x99: {  	_ =	strace $0x8FFFFFFF  }
0x9a: {  	s19 =	sld [smem:$0x3FDB];
	_ =	sdelay $0x1  }
0x9b: {  	s6 =	simm.s32 $_scs_section_size  }
0x9c: {  	s7 =	simm.s32 $_size__tile_overlayer_lowered;
	s8 =	simm.s32 $_tile_overlayer_lowered  }
0x9d: {  	s22 =	simm.s32 $0x1BFF;
	s21 =	sshll.u32 s8, $0x1;
	s5 =	sadd.s32 s6, s19  }
0x9e: {  	s9 =	simm.s32 $0x0;
	s20 =	sshll.u32 s7, $0x1;
	s7 =	sadd.s32 s21, s5  }
0x9f: {  	[timem:s9], [sflag:s22] =	dma.local [hbm:s7], s20  }
0xa0: {  	_ =	swait.ge [sflag:s22], s20  }
0xa1: {  	s6 =	ssub.s32 $0x0, s20;
	[sflag:s22] =	ssyncset.done $0x0  }
0xa2: {  	[sflag:s22] =	ssyncadd.s32 s6;
	_ =	sdelay $0x1  }
0xa3: {  	s23 =	simm.s32 $0x1B8B  }
0xa4: {  	_ =	swait.ge [sflag:s23], $0x1  }
0xa5: {  	[sflag:s23] =	ssyncset.done $0x0  }
0xa6: {  	s25 =	simm.s32 $0x1B8E;
	s24 =	sld [smem:$0x3FFE];
	[sflag:s23] =	ssyncadd.s32 $0xFFFFFFFF  }
0xa7: {  	s26 =	simm.s32 $execute0_lowered;
	[smem:$0x3FD2] =	sst s25  }
0xa8: {  	s7 =	sshll.u32 s26, $0x1;
	_ =	strace $0x80000046;
	[dreg:$0x1] =	wrdreg $0xFFFFFFFF  }
0xa9: {  	s28 =	simm.s32 $_size_execute0_lowered;
	s5 =	sadd.s32 s5, s7;
	[dreg:$0x0] =	wrdreg $0x0  }
0xaa: {  	s7 =	sshll.u32 s28, $0x1;
	[dreg:$0x2] =	wrdreg s5  }
0xab: {  	[dreg:$0x3] =	wrdreg s7  }
0xac: {  	[dreg:$0x4] =	wrdreg $0xC0  }
0xad: {  	_ =	task [dreg:s9], $0x5FFFF  }
0xae: {  	[dreg:$0x1] =	wrdreg $0xFFFFFFFF  }
0xaf: {  	[dreg:$0x0] =	wrdreg $0x60  }
0xb0: {  	[dreg:$0x2] =	wrdreg s24  }
0xb1: {  	[dreg:$0x3] =	wrdreg s2  }
0xb2: {  	[dreg:$0x4] =	wrdreg s18  }
0xb3: {  	[dreg:$0x5] =	wrdreg s4  }
0xb4: {  	[dreg:$0x6] =	wrdreg $0x9  }
0xb5: {  	_ =	task.clear_ibuf [dreg:s9], $0x7FFFF;
	_ =	strace $0x90000046  }
0xb6: {  	s29 =	simm.s32 $0x9;
	_ =	strace $0x80000048  }
0xb7: {  	_ =	swait.ge [sflag:s29], $0x1  }
0xb8: {  	[sflag:s29] =	ssyncadd.s32 $0xFFFFFFFF  }
0xb9: {  	_ =	strace $0x90000048  }
0xba: {  	_ =	sfence  }
0xbb: {  	s30 =	sld [smem:$0x0];
	_ =	sdelay $0x2  }
0xbc: {  	s31 =	sshll.u32 s1, $0xD;
	s1 =	sshrl.u32 s1, $0x2  }
0xbd: {  	s3 =	sand.u32 $0x4000, s31;
	s1 =	sadd.s32 s1, s30  }
0xbe: {  	s0 =	sor.u32 s3, s0;
	s1 =	sshll.u32 s1, $0x11  }
0xbf: {  	s0 =	sor.u32 s1, s0  }
0xc0: {  	s0 =	sadd.s32 $0x8F2B, s0  }
0xc1: {  	[sflag:s0] =	ssyncadd.remote.s32 $0x1  }
0xc2: {  	_ =	sfence.sel $0xFFFF  }
0xc3: {  	[dreg:$0x0] =	wrdreg $0xFFFFFFFF;
	(pc) =	sbr.abs _section_cstart, $3  }
0xc4: {  	[dreg:$0x1] =	wrdreg $0xFFFFFFFF  }
0xc5: {  	_ =	task.clear_ibuf [dreg:s9], $0x2FFFF;
	_ =	strace $0x9FFFFFFF  }
0xc6: {  	(tm) =	ssettm $0x7FFFFFFF  }
0xc7: {  	_ =	shalt  }
tec
execute0_lowered:
.L_overlay_start_1:
0x0: {  	(tag) =	ssettag $0x1  }
0x1: {  	s0 =	rddreg [dreg:$0x0]  }
0x2: {  	s1 =	rddreg [dreg:$0x1]  }
0x3: {  	s3 =	rddreg [dreg:$0x2]  }
0x4: {  	s4 =	rddreg [dreg:$0x3]  }
0x5: {  	s2 =	srdreg.scid;
	s6 =	stileid.u32;
	s5 =	simm.s32 $0x0  }
0x6: {  	s15 =	simm.s32 $0x3;
	s16 =	simm.s32 $0x80;
	s14 =	simm.s32 $0x14A00  }
0x7: {  	s17 =	simm.s32 $0x5;
	s18 =	simm.s32 $0x4;
	s23 =	simm.s32 $0x1  }
0x8: {  	s29 =	simm.s32 $0x14A40;
	s2 =	sand.u32 $0x1, s2;
	s6 =	sshll.u32 s6, $0x1  }
0x9: {  	s21 =	simm.s32 $0x14A80;
	s30 =	simm.s32 $0x14B00;
	s8 =	sor.u32 s2, s6  }
0xa: {  	s31 =	simm.s32 $0x14AC0;
	[smem:$0x7FF] =	sst s5;
	s9 =	smul.u32 $0x10400, s8  }
0xb: {  	_ =	strace $0x80000047;
	s24 =	ssub.s32 $0x2, s2;
	s7 =	smul.u32 $0xD00, s8  }
0xc: {  	s6 =	sadd.s32 $0xF42800, s0;
	s2 =	sshrl.u32 s24, $0x1;
	s10 =	smul.u32 $0x2080, s8  }
0xd: {  	s12 =	smul.u32 $0x1A000, s8;
	s0 =	ssub.s32 s24, s2;
	s24 =	simm.s32 $0x2  }
0xe: {  	s9 =	sshrl.u32 s9, $0x3;
	s26 =	sshrl.u32 s7, $0x3;
	s10 =	sadd.s32 s1, s10  }
0xf: {  	s11 =	sor.u32 $0x80, s7;
	s0 =	smax.u32 s0, $0x1;
	[dreg:$0x5] =	wrdreg s10  }
0x10: {  	s25 =	sadd.s32 s1, s9;
	s28 =	sadd.s32 s3, s26;
	[dreg:$0x8] =	wrdreg s0  }
0x11: {  	s13 =	sor.u32 $0xC0, s7;
	s2 =	sadd.s32 $0xA0, s25;
	[dreg:$0x7] =	wrdreg s28  }
0x12: {  	s10 =	simm.s32 $0x500;
	[dreg:$0x6] =	wrdreg s2;
	s2 =	simm.s32 $0x0  }
.LBB2_1:
0x13: {  	[dreg:$0x9] =	wrdreg s2  }
0x14: {  	s0 =	rddreg [dreg:$0x5]  }
0x15: {  	[tilespmem:s5], [sflag:$0x3] =	stream.linear.gather [hbm4b:s0+s5], $0x500, $0x38;
	[tilespmem:$0x15300] =	vst v63  }
0x16: {  	_ =	swait.ge [sflag:s15], $0x500  }
0x17: {  	[sflag:s15] =	ssyncset.done $0x0  }
0x18: {  	s22 =	simm.s32 $0xA00;
	[sflag:s15] =	ssyncadd.s32 $0xFFFFFB00  }
0x19: {  	[tilespmem:s22], [sflag:$0x1] =	stream.indirect.gather [hbm4b:s6+s16], $0x20, s5, s16, $0xb8;
	[tilespmem:$0x15300] =	vst v63  }
0x1a: {  	s25 =	simm.s32 $0x1A00  }
0x1b: {  	[tilespmem:s25], [sflag:$0x1] =	stream.indirect.gather [hbm4b:s6+s16], $0x20, s16, s16, $0xb8;
	[tilespmem:$0x15300] =	vst v63  }
0x1c: {  	s26 =	simm.s32 $0x100;
	s28 =	simm.s32 $0x2A00  }
0x1d: {  	[tilespmem:s28], [sflag:$0x1] =	stream.indirect.gather [hbm4b:s6+s16], $0x20, s26, s16, $0xb8;
	[tilespmem:$0x15300] =	vst v63  }
0x1e: {  	s8 =	simm.s32 $0x180;
	s9 =	simm.s32 $0x3A00  }
0x1f: {  	[tilespmem:s9], [sflag:$0x1] =	stream.indirect.gather [hbm4b:s6+s16], $0x20, s8, s16, $0xb8;
	[tilespmem:$0x15300] =	vst v63  }
0x20: {  	s19 =	simm.s32 $0x200;
	s20 =	simm.s32 $0x4A00  }
0x21: {  	[tilespmem:s20], [sflag:$0x1] =	stream.indirect.gather [hbm4b:s6+s16], $0x20, s19, s16, $0xb8;
	[tilespmem:$0x15300] =	vst v63  }
0x22: {  	s22 =	simm.s32 $0x280;
	s25 =	simm.s32 $0x5A00  }
0x23: {  	[tilespmem:s25], [sflag:$0x1] =	stream.indirect.gather [hbm4b:s6+s16], $0x20, s22, s16, $0xb8;
	[tilespmem:$0x15300] =	vst v63  }
0x24: {  	s26 =	simm.s32 $0x300;
	s28 =	simm.s32 $0x6A00  }
0x25: {  	[tilespmem:s28], [sflag:$0x1] =	stream.indirect.gather [hbm4b:s6+s16], $0x20, s26, s16, $0xb8;
	[tilespmem:$0x15300] =	vst v63  }
0x26: {  	s8 =	simm.s32 $0x380;
	s9 =	simm.s32 $0x7A00  }
0x27: {  	[tilespmem:s9], [sflag:$0x1] =	stream.indirect.gather [hbm4b:s6+s16], $0x20, s8, s16, $0xb8;
	[tilespmem:$0x15300] =	vst v63  }
0x28: {  	s19 =	simm.s32 $0x400;
	s20 =	simm.s32 $0x8A00  }
0x29: {  	[tilespmem:s20], [sflag:$0x1] =	stream.indirect.gather [hbm4b:s6+s16], $0x20, s19, s16, $0xb8;
	[tilespmem:$0x15300] =	vst v63  }
0x2a: {  	s22 =	simm.s32 $0x480;
	s25 =	simm.s32 $0x9A00  }
0x2b: {  	[tilespmem:s25], [sflag:$0x1] =	stream.indirect.gather [hbm4b:s6+s16], $0x20, s22, s16, $0xb8;
	[tilespmem:$0x15300] =	vst v63  }
0x2c: {  	s26 =	rddreg [dreg:$0x6]  }
0x2d: {  	[tilespmem:s10], [sflag:$0x4] =	stream.linear.gather [hbm4b:s26+s5], $0x500, $0x38;
	[tilespmem:$0x15300] =	vst v63  }
0x2e: {  	s28 =	rddreg [dreg:$0x7]  }
0x2f: {  	[tilespmem:s14], [sflag:$0x5] =	stream.linear.gather [hbm4b:s28+s5], $0x40, $0x38;
	[tilespmem:$0x15300] =	vst v63  }
0x30: {  	_ =	swait.ge [sflag:s17], $0x40  }
0x31: {  	[sflag:s17] =	ssyncset.done $0x0  }
0x32: {  	[sflag:s17] =	ssyncadd.s32 $0xFFFFFFC0  }
0x33: {  	v0 =	vld [tilespmem:$0x14A00]  }
0x34: {  	v1 =	vld [tilespmem:$0x14A10]  }
0x35: {  	v2 =	vld [tilespmem:$0x14A20]  }
0x36: {  	v3 =	vld [tilespmem:$0x14A30];
	_ =	sdelay $0x1  }
0x37: {  	v0 =	vcvt.s32.f32 v0  }
0x38: {  	v1 =	vcvt.s32.f32 v1  }
0x39: {  	v58 =	vcvt.s32.f32 v2;
	(erf) = vrcp.f32 v0  }
0x3a: {  	v59 =	vcvt.s32.f32 v3;
	(erf) = vrcp.f32 v1  }
0x3b: {  	(erf) = vrcp.f32 v58  }
0x3c: {  	(erf) = vrcp.f32 v59;
	_ =	sdelay $0x5  }
0x3d: {  	v60 =	vpop (erf)  }
0x3e: {  	v61 =	vpop (erf);
	[tilespmem:$0x14A80] =	vst v60  }
0x3f: {  	v62 =	vpop (erf);
	[tilespmem:$0x14A90] =	vst v61  }
0x40: {  	[tilespmem:$0x14AA0] =	vst v62;
	v63 =	vpop (erf)  }
0x41: {  	s20 =	simm.s32 $0x0;
	[tilespmem:$0x14AB0] =	vst v63  }
.LBB2_2:
0x42: {  	_ =	swait.ge [sflag:s18], $0x500  }
0x43: {  	[sflag:s18] =	ssyncset.done $0x0  }
0x44: {  	s0 =	simm.s32 $0xAA00;
	[sflag:s18] =	ssyncadd.s32 $0xFFFFFB00  }
0x45: {  	[tilespmem:s0], [sflag:$0x2] =	stream.indirect.gather [hbm4b:s6+s16], $0x20, s10, s16, $0xb8;
	[tilespmem:$0x15300] =	vst v63  }
0x46: {  	s25 =	simm.s32 $0x580;
	s2 =	simm.s32 $0xBA00  }
0x47: {  	[tilespmem:s2], [sflag:$0x2] =	stream.indirect.gather [hbm4b:s6+s16], $0x20, s25, s16, $0xb8;
	[tilespmem:$0x15300] =	vst v63  }
0x48: {  	s26 =	simm.s32 $0x600;
	s28 =	simm.s32 $0xCA00  }
0x49: {  	[tilespmem:s28], [sflag:$0x2] =	stream.indirect.gather [hbm4b:s6+s16], $0x20, s26, s16, $0xb8;
	[tilespmem:$0x15300] =	vst v63  }
0x4a: {  	s8 =	simm.s32 $0xDA00;
	s2 =	simm.s32 $0x680  }
0x4b: {  	[tilespmem:s8], [sflag:$0x2] =	stream.indirect.gather [hbm4b:s6+s16], $0x20, s2, s16, $0xb8;
	[tilespmem:$0x15300] =	vst v63  }
0x4c: {  	s9 =	simm.s32 $0x700;
	s19 =	simm.s32 $0xEA00  }
0x4d: {  	[tilespmem:s19], [sflag:$0x2] =	stream.indirect.gather [hbm4b:s6+s16], $0x20, s9, s16, $0xb8;
	[tilespmem:$0x15300] =	vst v63  }
0x4e: {  	s22 =	simm.s32 $0x780;
	s25 =	simm.s32 $0xFA00  }
0x4f: {  	[tilespmem:s25], [sflag:$0x2] =	stream.indirect.gather [hbm4b:s6+s16], $0x20, s22, s16, $0xb8;
	[tilespmem:$0x15300] =	vst v63  }
0x50: {  	s26 =	simm.s32 $0x800;
	s28 =	simm.s32 $0x10A00  }
0x51: {  	[tilespmem:s28], [sflag:$0x2] =	stream.indirect.gather [hbm4b:s6+s16], $0x20, s26, s16, $0xb8;
	[tilespmem:$0x15300] =	vst v63  }
0x52: {  	s8 =	simm.s32 $0x880;
	s2 =	sshll.u32 s20, $0x1;
	s9 =	simm.s32 $0x11A00  }
0x53: {  	[tilespmem:s9], [sflag:$0x2] =	stream.indirect.gather [hbm4b:s6+s16], $0x20, s8, s16, $0xb8;
	[tilespmem:$0x15300] =	vst v63  }
0x54: {  	s19 =	simm.s32 $0x900;
	s22 =	smin.u32 s2, $0x31;
	s8 =	simm.s32 $0x12A00  }
0x55: {  	[tilespmem:s8], [sflag:$0x2] =	stream.indirect.gather [hbm4b:s6+s16], $0x20, s19, s16, $0xb8;
	[tilespmem:$0x15300] =	vst v63  }
0x56: {  	s25 =	simm.s32 $0x980;
	s0 =	sshll.u32 s22, $0x6;
	s9 =	simm.s32 $0x13A00  }
0x57: {  	[tilespmem:s9], [sflag:$0x2] =	stream.indirect.gather [hbm4b:s6+s16], $0x20, s25, s16, $0xb8;
	[tilespmem:$0x15300] =	vst v63  }
0x58: {  	s25 =	sadd.s32 s0, s11  }
0x59: {  	s26 =	smul.u32 $0x14, s25  }
0x5a: {  	s19 =	simm.s32 $0x0;
	_ =	swait.ge [sflag:s23], $0xA000  }
0x5b: {  	s0 =	sshllo.u32 s20, $0x1;
	[sflag:s23] =	ssyncset.done $0x0;
	s8 =	sshrl.u32 s26, $0x3  }
0x5c: {  	s28 =	sshll.u32 s0, $0x6;
	[sflag:s23] =	ssyncadd.s32 $0xFFFF6000;
	s8 =	sadd.s32 s1, s8  }
0x5d: {  	[tilespmem:s19], [sflag:$0x3] =	stream.linear.gather [hbm4b:s8+s19], $0x500, $0x38;
	[tilespmem:$0x15300] =	vst v63  }
0x5e: {  	s8 =	sadd.s32 s7, s28  }
0x5f: {  	s8 =	sshrl.u32 s8, $0x3  }
0x60: {  	s8 =	sadd.s32 s3, s8  }
0x61: {  	[tilespmem:s29], [sflag:$0x5] =	stream.linear.gather [hbm4b:s8+s19], $0x40, $0x38;
	[tilespmem:$0x15300] =	vst v63  }
0x62: {  	_ =	swait.ge [sflag:s17], $0x40  }
0x63: {  	[sflag:s17] =	ssyncset.done $0x0  }
0x64: {  	[sflag:s17] =	ssyncadd.s32 $0xFFFFFFC0  }
0x65: {  	v0 =	vld [tilespmem:$0x14A40]  }
0x66: {  	v1 =	vld [tilespmem:$0x14A50]  }
0x67: {  	v2 =	vld [tilespmem:$0x14A60]  }
0x68: {  	v3 =	vld [tilespmem:$0x14A70];
	_ =	sdelay $0x1  }
0x69: {  	v0 =	vcvt.s32.f32 v0  }
0x6a: {  	v1 =	vcvt.s32.f32 v1  }
0x6b: {  	(erf) = vrcp.f32 v0;
	v0 =	vcvt.s32.f32 v2  }
0x6c: {  	(erf) = vrcp.f32 v1;
	v1 =	vcvt.s32.f32 v3  }
0x6d: {  	(erf) = vrcp.f32 v0  }
0x6e: {  	(erf) = vrcp.f32 v1;
	_ =	sdelay $0x5  }
0x6f: {  	v0 =	vpop (erf)  }
0x70: {  	v1 =	vpop (erf);
	[tilespmem:$0x14AC0] =	vst v0  }
0x71: {  	v0 =	vpop (erf);
	[tilespmem:$0x14AD0] =	vst v1  }
0x72: {  	[tilespmem:$0x14AE0] =	vst v0;
	v0 =	vpop (erf)  }
0x73: {  	s22 =	simm.s32 $0xB40;
	[tilespmem:$0x14AF0] =	vst v0  }
0x74: {  	v0 =	vld [tilespmem:s22+$0xFFFFFF10]  }
0x75: {  	v1 =	vld [tilespmem:s22+$0xFFFFFED0]  }
0x76: {  	v2 =	vld [tilespmem:s22+$0xFFFFFEF0]  }
0x77: {  	v3 =	vld [tilespmem:s22+$0xFFFFFEC0]  }
0x78: {  	v4 =	vld [tilespmem:s22+$0xFFFFFEE0]  }
0x79: {  	v6 =	vld [tilespmem:s22+$0xFFFFFF30]  }
0x7a: {  	v7 =	vld [tilespmem:s22+$0xFFFFFF00]  }
0x7b: {  	v8 =	vld [tilespmem:s22+$0xFFFFFF50];
	v1 =	vadd.f32 v2, v1  }
0x7c: {  	v9 =	vld [tilespmem:s22+$0xFFFFFF20]  }
0x7d: {  	v5 =	vld [tilespmem:s22+$0xFFFFFF40];
	v3 =	vadd.f32 v4, v3;
	v0 =	vadd.f32 v0, v1  }
0x7e: {  	v2 =	vld [tilespmem:s22+$0xFFFFFF70]  }
0x7f: {  	v4 =	vld [tilespmem:s22+$0xFFFFFF60];
	v3 =	vadd.f32 v7, v3;
	v7 =	vadd.f32 v6, v0  }
0x80: {  	s9 =	simm.s32 $0x1;
	v1 =	vld [tilespmem:s22+$0xFFFFFF90]  }
0x81: {  	s26 =	simm.s32 $0x14B10;
	s8 =	simm.s32 $0x14B10;
	v0 =	vmov s19;
	v6 =	vadd.f32 v9, v3;
	v3 =	vld [tilespmem:s22+$0xFFFFFF80];
	s19 =	simm.s32 $0xB40;
	v7 =	vadd.f32 v8, v7  }
.LBB2_3:
0x82: {  	p0 =	sne.s32 s9, $0x3F;
	v8 =	vld [tilespmem:s22+$0xFFFFFFB0];
	s26 =	sadd.s32 $0x20, s26;
	s19 =	sadd.s32 $0x280, s19  }
0x83: {  	s28 =	smov.u32 s9;
	s9 =	sadd.s32 $0x1, s9;
	v5 =	vadd.f32 v5, v6;
	v2 =	vadd.f32 v2, v7;
	v6 =	vld [tilespmem:s22+$0xFFFFFFD0]  }
0x84: {  	v7 =	vld [tilespmem:s22+$0xFFFFFFA0]  }
0x85: {  	v4 =	vadd.f32 v4, v5;
	v1 =	vadd.f32 v1, v2;
	v2 =	vld [tilespmem:s22+$0xFFFFFFF0]  }
0x86: {  	v5 =	vld [tilespmem:s22+$0xFFFFFFC0]  }
0x87: {  	v3 =	vadd.f32 v3, v4;
	v1 =	vadd.f32 v8, v1;
	v4 =	vld [tilespmem:s22+$0x10]  }
0x88: {  	v8 =	vld [tilespmem:s22+$0xFFFFFFE0]  }
0x89: {  	v3 =	vadd.f32 v7, v3;
	v1 =	vadd.f32 v6, v1;
	v6 =	vld [tilespmem:s22+$0x30]  }
0x8a: {  	v7 =	vld [tilespmem:s22+$0x0]  }
0x8b: {  	v3 =	vadd.f32 v5, v3;
	v1 =	vadd.f32 v2, v1;
	v2 =	vld [tilespmem:s22+$0x50]  }
0x8c: {  	v5 =	vld [tilespmem:s22+$0x20]  }
0x8d: {  	v3 =	vadd.f32 v8, v3;
	v1 =	vadd.f32 v4, v1;
	v4 =	vld [tilespmem:s22+$0x70]  }
0x8e: {  	v8 =	vld [tilespmem:s22+$0x40]  }
0x8f: {  	v3 =	vadd.f32 v7, v3;
	v1 =	vadd.f32 v6, v1;
	v6 =	vld [tilespmem:s22+$0x90]  }
0x90: {  	v7 =	vld [tilespmem:s22+$0x60]  }
0x91: {  	v3 =	vadd.f32 v5, v3;
	v1 =	vadd.f32 v2, v1;
	v2 =	vld [tilespmem:s22+$0xB0]  }
0x92: {  	v5 =	vld [tilespmem:s22+$0x80]  }
0x93: {  	v3 =	vadd.f32 v8, v3;
	v1 =	vadd.f32 v4, v1;
	v4 =	vld [tilespmem:s22+$0xD0]  }
0x94: {  	v8 =	vld [tilespmem:s22+$0xA0]  }
0x95: {  	v3 =	vadd.f32 v7, v3;
	v1 =	vadd.f32 v6, v1;
	v6 =	vld [tilespmem:s22+$0xF0]  }
0x96: {  	v7 =	vld [tilespmem:s22+$0xC0]  }
0x97: {  	v3 =	vadd.f32 v5, v3;
	v1 =	vadd.f32 v2, v1;
	v2 =	vld [tilespmem:s22+$0x110]  }
0x98: {  	v5 =	vld [tilespmem:s22+$0xE0]  }
0x99: {  	v3 =	vadd.f32 v8, v3;
	v1 =	vadd.f32 v4, v1;
	v4 =	vld [tilespmem:s22+$0x130]  }
0x9a: {  	v8 =	vld [tilespmem:s22+$0x100]  }
0x9b: {  	v3 =	vadd.f32 v7, v3;
	v1 =	vadd.f32 v6, v1;
	v0 =	vld.idx.msk [tilespmem:v0+s21+$0x0], $0xffff  }
0x9c: {  	v6 =	vld [tilespmem:s22+$0x120];
	s22 =	smov.u32 s19  }
0x9d: {  	v3 =	vadd.f32 v5, v3;
	v1 =	vadd.f32 v2, v1;
	_ =	sdelay $0x1  }
0x9e: {  	v2 =	vadd.f32 v8, v3;
	v1 =	vadd.f32 v4, v1;
	_ =	sdelay $0x1  }
0x9f: {  	v2 =	vadd.f32 v6, v2;
	v1 =	vmul.f32 v0, v1;
	_ =	sdelay $0x1  }
0xa0: {  	v2 =	vmul.f32 v0, v2;
	[tilespmem:s8+$0x0] =	vst v1  }
0xa1: {  	v0 =	vmov s28  }
0xa2: {  	[tilespmem:s8+$0xFFFFFFF0] =	vst v2;
	s8 =	smov.u32 s26  }
0xa3: {  	v1 =	vld [tilespmem:s19+$0xFFFFFF10]  }
0xa4: {  	v2 =	vld [tilespmem:s19+$0xFFFFFED0]  }
0xa5: {  	v3 =	vld [tilespmem:s19+$0xFFFFFEF0]  }
0xa6: {  	v4 =	vld [tilespmem:s19+$0xFFFFFEC0]  }
0xa7: {  	v5 =	vld [tilespmem:s19+$0xFFFFFEE0]  }
0xa8: {  	v6 =	vld [tilespmem:s19+$0xFFFFFF30]  }
0xa9: {  	v7 =	vld [tilespmem:s19+$0xFFFFFF00]  }
0xaa: {  	v2 =	vadd.f32 v3, v2;
	v3 =	vld [tilespmem:s19+$0xFFFFFF50]  }
0xab: {  	v8 =	vld [tilespmem:s19+$0xFFFFFF20]  }
.Ltmp0:
0xac: {  	v4 =	vadd.f32 v5, v4;
	v1 =	vadd.f32 v1, v2;
	v2 =	vld [tilespmem:s19+$0xFFFFFF70];
	(pc) =	sbr.rel @p0 .LBB2_3-.Ltmp0, $4  }
0xad: {  	v5 =	vld [tilespmem:s19+$0xFFFFFF40]  }
0xae: {  	v7 =	vadd.f32 v7, v4;
	v9 =	vadd.f32 v6, v1;
	v1 =	vld [tilespmem:s19+$0xFFFFFF90]  }
0xaf: {  	v4 =	vld [tilespmem:s19+$0xFFFFFF60]  }
0xb0: {  	v6 =	vadd.f32 v8, v7;
	v7 =	vadd.f32 v3, v9;
	v3 =	vld [tilespmem:s19+$0xFFFFFF80]  }
0xb1: {  	_ = 	snop  }
0xb2: {  	v8 =	vld [tilespmem:s22+$0xFFFFFFB0];
	v5 =	vadd.f32 v5, v6  }
0xb3: {  	v2 =	vadd.f32 v2, v7;
	v6 =	vld [tilespmem:s22+$0xFFFFFFA0]  }
0xb4: {  	v7 =	vld [tilespmem:s22+$0xFFFFFFD0];
	v4 =	vadd.f32 v4, v5  }
0xb5: {  	v1 =	vadd.f32 v1, v2;
	v2 =	vld [tilespmem:s22+$0xFFFFFFC0]  }
0xb6: {  	v5 =	vld [tilespmem:s22+$0xFFFFFFF0];
	v3 =	vadd.f32 v3, v4  }
0xb7: {  	v1 =	vadd.f32 v8, v1;
	v4 =	vld [tilespmem:s22+$0xFFFFFFE0]  }
0xb8: {  	v8 =	vld [tilespmem:s22+$0x10];
	v3 =	vadd.f32 v6, v3  }
0xb9: {  	v1 =	vadd.f32 v7, v1;
	v6 =	vld [tilespmem:s22+$0x0]  }
0xba: {  	v7 =	vld [tilespmem:s22+$0x30];
	v2 =	vadd.f32 v2, v3  }
0xbb: {  	v1 =	vadd.f32 v5, v1;
	v3 =	vld [tilespmem:s22+$0x20]  }
0xbc: {  	v5 =	vld [tilespmem:s22+$0x50];
	v2 =	vadd.f32 v4, v2  }
0xbd: {  	v1 =	vadd.f32 v8, v1;
	v4 =	vld [tilespmem:s22+$0x40]  }
0xbe: {  	v8 =	vld [tilespmem:s22+$0x70];
	v2 =	vadd.f32 v6, v2  }
0xbf: {  	v1 =	vadd.f32 v7, v1;
	v6 =	vld [tilespmem:s22+$0x60]  }
0xc0: {  	v7 =	vld [tilespmem:s22+$0x90];
	v2 =	vadd.f32 v3, v2  }
0xc1: {  	v1 =	vadd.f32 v5, v1;
	v3 =	vld [tilespmem:s22+$0x80]  }
0xc2: {  	v5 =	vld [tilespmem:s22+$0xB0];
	v2 =	vadd.f32 v4, v2  }
0xc3: {  	v1 =	vadd.f32 v8, v1;
	v4 =	vld [tilespmem:s22+$0xA0]  }
0xc4: {  	v8 =	vld [tilespmem:s22+$0xD0];
	v2 =	vadd.f32 v6, v2  }
0xc5: {  	v1 =	vadd.f32 v7, v1;
	v6 =	vld [tilespmem:s22+$0xC0]  }
0xc6: {  	v7 =	vld [tilespmem:s22+$0xF0];
	v2 =	vadd.f32 v3, v2  }
0xc7: {  	v1 =	vadd.f32 v5, v1;
	v3 =	vld [tilespmem:s22+$0xE0]  }
0xc8: {  	v5 =	vld [tilespmem:s22+$0x110];
	v2 =	vadd.f32 v4, v2  }
0xc9: {  	v1 =	vadd.f32 v8, v1;
	v4 =	vld [tilespmem:s22+$0x100]  }
0xca: {  	v8 =	vld [tilespmem:s22+$0x130];
	v2 =	vadd.f32 v6, v2  }
0xcb: {  	v1 =	vadd.f32 v7, v1;
	v6 =	vld [tilespmem:s22+$0x120]  }
0xcc: {  	v0 =	vld.idx.msk [tilespmem:v0+s21+$0x0], $0xffff;
	v2 =	vadd.f32 v3, v2  }
0xcd: {  	v1 =	vadd.f32 v5, v1  }
0xce: {  	v2 =	vadd.f32 v4, v2  }
0xcf: {  	v1 =	vadd.f32 v8, v1  }
0xd0: {  	v2 =	vadd.f32 v6, v2  }
0xd1: {  	s9 =	sshll.u32 s20, $0xC;
	v1 =	vmul.f32 v0, v1  }
0xd2: {  	s9 =	sadd.s32 s12, s9;
	v0 =	vmul.f32 v0, v2  }
0xd3: {  	s9 =	sshrl.u32 s9, $0x3;
	[tilespmem:s8+$0x0] =	vst v1  }
0xd4: {  	s9 =	sadd.s32 s4, s9;
	[tilespmem:s8+$0xFFFFFFF0] =	vst v0;
	s8 =	simm.s32 $0x0  }
0xd5: {  	[hbm4b:s9+s8] =	stream.linear.scatter [tilespmem:s30], [sflag:$0x5], $0x800, $0x38;
	[tilespmem:$0x15300] =	vst v63  }
0xd6: {  	_ =	swait.ge [sflag:s17], $0x800  }
0xd7: {  	[sflag:s17] =	ssyncset.done $0x0  }
0xd8: {  	[sflag:s17] =	ssyncadd.s32 $0xFFFFF800  }
0xd9: {  	_ =	swait.ge [sflag:s15], $0x500  }
0xda: {  	[sflag:s15] =	ssyncset.done $0x0  }
0xdb: {  	s22 =	simm.s32 $0xA00;
	[sflag:s15] =	ssyncadd.s32 $0xFFFFFB00  }
0xdc: {  	[tilespmem:s22], [sflag:$0x1] =	stream.indirect.gather [hbm4b:s6+s16], $0x20, s8, s16, $0xb8;
	[tilespmem:$0x15300] =	vst v63  }
0xdd: {  	s26 =	simm.s32 $0x1A00  }
0xde: {  	[tilespmem:s26], [sflag:$0x1] =	stream.indirect.gather [hbm4b:s6+s16], $0x20, s16, s16, $0xb8;
	[tilespmem:$0x15300] =	vst v63  }
0xdf: {  	s28 =	simm.s32 $0x100;
	s19 =	simm.s32 $0x2A00  }
0xe0: {  	[tilespmem:s19], [sflag:$0x1] =	stream.indirect.gather [hbm4b:s6+s16], $0x20, s28, s16, $0xb8;
	[tilespmem:$0x15300] =	vst v63  }
0xe1: {  	s22 =	simm.s32 $0x3A00;
	s19 =	simm.s32 $0x180  }
0xe2: {  	[tilespmem:s22], [sflag:$0x1] =	stream.indirect.gather [hbm4b:s6+s16], $0x20, s19, s16, $0xb8;
	[tilespmem:$0x15300] =	vst v63  }
0xe3: {  	s26 =	simm.s32 $0x200;
	s28 =	simm.s32 $0x4A00  }
0xe4: {  	[tilespmem:s28], [sflag:$0x1] =	stream.indirect.gather [hbm4b:s6+s16], $0x20, s26, s16, $0xb8;
	[tilespmem:$0x15300] =	vst v63  }
0xe5: {  	s19 =	simm.s32 $0x280;
	s22 =	simm.s32 $0x5A00  }
0xe6: {  	[tilespmem:s22], [sflag:$0x1] =	stream.indirect.gather [hbm4b:s6+s16], $0x20, s19, s16, $0xb8;
	[tilespmem:$0x15300] =	vst v63  }
0xe7: {  	s2 =	smin.u32 s2, $0x30;
	s26 =	simm.s32 $0x300;
	s28 =	simm.s32 $0x6A00  }
0xe8: {  	[tilespmem:s28], [sflag:$0x1] =	stream.indirect.gather [hbm4b:s6+s16], $0x20, s26, s16, $0xb8;
	[tilespmem:$0x15300] =	vst v63  }
0xe9: {  	s2 =	sshll.u32 s2, $0x6;
	s19 =	simm.s32 $0x380;
	s22 =	simm.s32 $0x7A00  }
0xea: {  	[tilespmem:s22], [sflag:$0x1] =	stream.indirect.gather [hbm4b:s6+s16], $0x20, s19, s16, $0xb8;
	[tilespmem:$0x15300] =	vst v63  }
0xeb: {  	s2 =	sadd.s32 s2, s13;
	s26 =	simm.s32 $0x400;
	s28 =	simm.s32 $0x8A00  }
0xec: {  	[tilespmem:s28], [sflag:$0x1] =	stream.indirect.gather [hbm4b:s6+s16], $0x20, s26, s16, $0xb8;
	[tilespmem:$0x15300] =	vst v63  }
0xed: {  	s2 =	smul.u32 $0x14, s2;
	s22 =	simm.s32 $0x480;
	s26 =	simm.s32 $0x9A00  }
0xee: {  	[tilespmem:s26], [sflag:$0x1] =	stream.indirect.gather [hbm4b:s6+s16], $0x20, s22, s16, $0xb8;
	[tilespmem:$0x15300] =	vst v63  }
0xef: {  	_ =	swait.ge [sflag:s24], $0xA000  }
0xf0: {  	s2 =	sshrl.u32 s2, $0x3;
	[sflag:s24] =	ssyncset.done $0x0  }
0xf1: {  	s2 =	sadd.s32 s1, s2;
	s28 =	sshrl.u32 s25, $0x3;
	[sflag:s24] =	ssyncadd.s32 $0xFFFF6000  }
0xf2: {  	[tilespmem:s10], [sflag:$0x4] =	stream.linear.gather [hbm4b:s2+s8], $0x500, $0x38;
	[tilespmem:$0x15300] =	vst v63  }
0xf3: {  	s2 =	sadd.s32 s3, s28  }
0xf4: {  	[tilespmem:s14], [sflag:$0x5] =	stream.linear.gather [hbm4b:s2+s8], $0x40, $0x38;
	[tilespmem:$0x15300] =	vst v63  }
0xf5: {  	_ =	swait.ge [sflag:s17], $0x40  }
0xf6: {  	[sflag:s17] =	ssyncset.done $0x0  }
0xf7: {  	[sflag:s17] =	ssyncadd.s32 $0xFFFFFFC0  }
0xf8: {  	v0 =	vld [tilespmem:$0x14A00]  }
0xf9: {  	v1 =	vld [tilespmem:$0x14A10]  }
0xfa: {  	v2 =	vld [tilespmem:$0x14A20]  }
0xfb: {  	v3 =	vld [tilespmem:$0x14A30];
	_ =	sdelay $0x1  }
0xfc: {  	v0 =	vcvt.s32.f32 v0  }
0xfd: {  	v1 =	vcvt.s32.f32 v1  }
0xfe: {  	(erf) = vrcp.f32 v0;
	v0 =	vcvt.s32.f32 v2  }
0xff: {  	(erf) = vrcp.f32 v1;
	v1 =	vcvt.s32.f32 v3  }
0x100: {  	(erf) = vrcp.f32 v0  }
0x101: {  	(erf) = vrcp.f32 v1;
	_ =	sdelay $0x5  }
0x102: {  	v0 =	vpop (erf)  }
0x103: {  	v1 =	vpop (erf);
	[tilespmem:$0x14A80] =	vst v0  }
0x104: {  	v0 =	vpop (erf);
	[tilespmem:$0x14A90] =	vst v1  }
0x105: {  	[tilespmem:$0x14AA0] =	vst v0;
	v0 =	vpop (erf)  }
0x106: {  	s2 =	simm.s32 $0xAB40;
	[tilespmem:$0x14AB0] =	vst v0  }
0x107: {  	v0 =	vld [tilespmem:s2+$0xFFFFFF10]  }
0x108: {  	v1 =	vld [tilespmem:s2+$0xFFFFFED0]  }
0x109: {  	v2 =	vld [tilespmem:s2+$0xFFFFFEF0]  }
0x10a: {  	v3 =	vld [tilespmem:s2+$0xFFFFFEC0]  }
0x10b: {  	v4 =	vld [tilespmem:s2+$0xFFFFFEE0]  }
0x10c: {  	v6 =	vld [tilespmem:s2+$0xFFFFFF30]  }
0x10d: {  	v7 =	vld [tilespmem:s2+$0xFFFFFF00]  }
0x10e: {  	v8 =	vld [tilespmem:s2+$0xFFFFFF50];
	v1 =	vadd.f32 v2, v1  }
0x10f: {  	v9 =	vld [tilespmem:s2+$0xFFFFFF20]  }
0x110: {  	v5 =	vld [tilespmem:s2+$0xFFFFFF40];
	v3 =	vadd.f32 v4, v3;
	v0 =	vadd.f32 v0, v1  }
0x111: {  	v2 =	vld [tilespmem:s2+$0xFFFFFF70]  }
0x112: {  	v4 =	vld [tilespmem:s2+$0xFFFFFF60];
	v3 =	vadd.f32 v7, v3;
	v7 =	vadd.f32 v6, v0  }
0x113: {  	s9 =	simm.s32 $0x1;
	v1 =	vld [tilespmem:s2+$0xFFFFFF90]  }
0x114: {  	s19 =	simm.s32 $0xAB40;
	s22 =	simm.s32 $0x14B10;
	v0 =	vmov s8;
	v6 =	vadd.f32 v9, v3;
	v3 =	vld [tilespmem:s2+$0xFFFFFF80];
	s8 =	simm.s32 $0x14B10;
	v7 =	vadd.f32 v8, v7  }
.LBB2_5:
0x115: {  	p0 =	sne.s32 s9, $0x3F;
	v8 =	vld [tilespmem:s2+$0xFFFFFFB0];
	s22 =	sadd.s32 $0x20, s22;
	s19 =	sadd.s32 $0x280, s19  }
0x116: {  	s25 =	smov.u32 s9;
	s9 =	sadd.s32 $0x1, s9;
	v5 =	vadd.f32 v5, v6;
	v2 =	vadd.f32 v2, v7;
	v6 =	vld [tilespmem:s2+$0xFFFFFFD0]  }
0x117: {  	v7 =	vld [tilespmem:s2+$0xFFFFFFA0]  }
0x118: {  	v4 =	vadd.f32 v4, v5;
	v1 =	vadd.f32 v1, v2;
	v2 =	vld [tilespmem:s2+$0xFFFFFFF0]  }
0x119: {  	v5 =	vld [tilespmem:s2+$0xFFFFFFC0]  }
0x11a: {  	v3 =	vadd.f32 v3, v4;
	v1 =	vadd.f32 v8, v1;
	v4 =	vld [tilespmem:s2+$0x10]  }
0x11b: {  	v8 =	vld [tilespmem:s2+$0xFFFFFFE0]  }
0x11c: {  	v3 =	vadd.f32 v7, v3;
	v1 =	vadd.f32 v6, v1;
	v6 =	vld [tilespmem:s2+$0x30]  }
0x11d: {  	v7 =	vld [tilespmem:s2+$0x0]  }
0x11e: {  	v3 =	vadd.f32 v5, v3;
	v1 =	vadd.f32 v2, v1;
	v2 =	vld [tilespmem:s2+$0x50]  }
0x11f: {  	v5 =	vld [tilespmem:s2+$0x20]  }
0x120: {  	v3 =	vadd.f32 v8, v3;
	v1 =	vadd.f32 v4, v1;
	v4 =	vld [tilespmem:s2+$0x70]  }
0x121: {  	v8 =	vld [tilespmem:s2+$0x40]  }
0x122: {  	v3 =	vadd.f32 v7, v3;
	v1 =	vadd.f32 v6, v1;
	v6 =	vld [tilespmem:s2+$0x90]  }
0x123: {  	v7 =	vld [tilespmem:s2+$0x60]  }
0x124: {  	v3 =	vadd.f32 v5, v3;
	v1 =	vadd.f32 v2, v1;
	v2 =	vld [tilespmem:s2+$0xB0]  }
0x125: {  	v5 =	vld [tilespmem:s2+$0x80]  }
0x126: {  	v3 =	vadd.f32 v8, v3;
	v1 =	vadd.f32 v4, v1;
	v4 =	vld [tilespmem:s2+$0xD0]  }
0x127: {  	v8 =	vld [tilespmem:s2+$0xA0]  }
0x128: {  	v3 =	vadd.f32 v7, v3;
	v1 =	vadd.f32 v6, v1;
	v6 =	vld [tilespmem:s2+$0xF0]  }
0x129: {  	v7 =	vld [tilespmem:s2+$0xC0]  }
0x12a: {  	v3 =	vadd.f32 v5, v3;
	v1 =	vadd.f32 v2, v1;
	v2 =	vld [tilespmem:s2+$0x110]  }
0x12b: {  	v5 =	vld [tilespmem:s2+$0xE0]  }
0x12c: {  	v3 =	vadd.f32 v8, v3;
	v1 =	vadd.f32 v4, v1;
	v4 =	vld [tilespmem:s2+$0x130]  }
0x12d: {  	v8 =	vld [tilespmem:s2+$0x100]  }
0x12e: {  	v3 =	vadd.f32 v7, v3;
	v1 =	vadd.f32 v6, v1;
	v0 =	vld.idx.msk [tilespmem:v0+s31+$0x0], $0xffff  }
0x12f: {  	v6 =	vld [tilespmem:s2+$0x120];
	s2 =	smov.u32 s19  }
0x130: {  	v3 =	vadd.f32 v5, v3;
	v1 =	vadd.f32 v2, v1;
	_ =	sdelay $0x1  }
0x131: {  	v2 =	vadd.f32 v8, v3;
	v1 =	vadd.f32 v4, v1;
	_ =	sdelay $0x1  }
0x132: {  	v2 =	vadd.f32 v6, v2;
	v1 =	vmul.f32 v0, v1;
	_ =	sdelay $0x1  }
0x133: {  	v2 =	vmul.f32 v0, v2;
	[tilespmem:s8+$0x0] =	vst v1  }
0x134: {  	v0 =	vmov s25  }
0x135: {  	[tilespmem:s8+$0xFFFFFFF0] =	vst v2;
	s8 =	smov.u32 s22  }
0x136: {  	v1 =	vld [tilespmem:s19+$0xFFFFFF10]  }
0x137: {  	v2 =	vld [tilespmem:s19+$0xFFFFFED0]  }
0x138: {  	v3 =	vld [tilespmem:s19+$0xFFFFFEF0]  }
0x139: {  	v4 =	vld [tilespmem:s19+$0xFFFFFEC0]  }
0x13a: {  	v5 =	vld [tilespmem:s19+$0xFFFFFEE0]  }
0x13b: {  	v6 =	vld [tilespmem:s19+$0xFFFFFF30]  }
0x13c: {  	v7 =	vld [tilespmem:s19+$0xFFFFFF00]  }
0x13d: {  	v2 =	vadd.f32 v3, v2;
	v3 =	vld [tilespmem:s19+$0xFFFFFF50]  }
0x13e: {  	v8 =	vld [tilespmem:s19+$0xFFFFFF20]  }
.Ltmp1:
0x13f: {  	v4 =	vadd.f32 v5, v4;
	v1 =	vadd.f32 v1, v2;
	v2 =	vld [tilespmem:s19+$0xFFFFFF70];
	(pc) =	sbr.rel @p0 .LBB2_5-.Ltmp1, $4  }
0x140: {  	v5 =	vld [tilespmem:s19+$0xFFFFFF40]  }
0x141: {  	v7 =	vadd.f32 v7, v4;
	v9 =	vadd.f32 v6, v1;
	v1 =	vld [tilespmem:s19+$0xFFFFFF90]  }
0x142: {  	v4 =	vld [tilespmem:s19+$0xFFFFFF60]  }
0x143: {  	v6 =	vadd.f32 v8, v7;
	v7 =	vadd.f32 v3, v9;
	v3 =	vld [tilespmem:s19+$0xFFFFFF80]  }
0x144: {  	_ = 	snop  }
0x145: {  	v8 =	vld [tilespmem:s2+$0xFFFFFFB0];
	v5 =	vadd.f32 v5, v6  }
0x146: {  	v39 =	vld [tilespmem:s2+$0xFFFFFFA0];
	v2 =	vadd.f32 v2, v7  }
0x147: {  	v40 =	vld [tilespmem:s2+$0xFFFFFFD0];
	v4 =	vadd.f32 v4, v5  }
0x148: {  	v41 =	vld [tilespmem:s2+$0xFFFFFFC0];
	v1 =	vadd.f32 v1, v2  }
0x149: {  	v42 =	vld [tilespmem:s2+$0xFFFFFFF0];
	v3 =	vadd.f32 v3, v4  }
0x14a: {  	v43 =	vld [tilespmem:s2+$0xFFFFFFE0];
	v1 =	vadd.f32 v8, v1  }
0x14b: {  	v44 =	vld [tilespmem:s2+$0x10];
	v3 =	vadd.f32 v39, v3  }
0x14c: {  	v45 =	vld [tilespmem:s2+$0x0];
	v1 =	vadd.f32 v40, v1  }
0x14d: {  	v46 =	vld [tilespmem:s2+$0x30];
	v2 =	vadd.f32 v41, v3  }
0x14e: {  	v47 =	vld [tilespmem:s2+$0x20];
	v1 =	vadd.f32 v42, v1  }
0x14f: {  	v48 =	vld [tilespmem:s2+$0x50];
	v2 =	vadd.f32 v43, v2  }
0x150: {  	v49 =	vld [tilespmem:s2+$0x40];
	v1 =	vadd.f32 v44, v1  }
0x151: {  	v50 =	vld [tilespmem:s2+$0x70];
	v2 =	vadd.f32 v45, v2  }
0x152: {  	v51 =	vld [tilespmem:s2+$0x60];
	v1 =	vadd.f32 v46, v1  }
0x153: {  	v52 =	vld [tilespmem:s2+$0x90];
	v2 =	vadd.f32 v47, v2  }
0x154: {  	v53 =	vld [tilespmem:s2+$0x80];
	v1 =	vadd.f32 v48, v1  }
0x155: {  	v54 =	vld [tilespmem:s2+$0xB0];
	v2 =	vadd.f32 v49, v2  }
0x156: {  	v55 =	vld [tilespmem:s2+$0xA0];
	v1 =	vadd.f32 v50, v1  }
0x157: {  	v56 =	vld [tilespmem:s2+$0xD0];
	v2 =	vadd.f32 v51, v2  }
0x158: {  	v57 =	vld [tilespmem:s2+$0xC0];
	v1 =	vadd.f32 v52, v1  }
0x159: {  	v58 =	vld [tilespmem:s2+$0xF0];
	v2 =	vadd.f32 v53, v2  }
0x15a: {  	v59 =	vld [tilespmem:s2+$0xE0];
	v1 =	vadd.f32 v54, v1  }
0x15b: {  	v60 =	vld [tilespmem:s2+$0x110];
	v2 =	vadd.f32 v55, v2  }
0x15c: {  	v61 =	vld [tilespmem:s2+$0x100];
	v1 =	vadd.f32 v56, v1  }
0x15d: {  	v62 =	vld [tilespmem:s2+$0x130];
	v2 =	vadd.f32 v57, v2  }
0x15e: {  	v63 =	vld [tilespmem:s2+$0x120];
	v1 =	vadd.f32 v58, v1  }
0x15f: {  	v0 =	vld.idx.msk [tilespmem:v0+s31+$0x0], $0xffff;
	v2 =	vadd.f32 v59, v2  }
0x160: {  	v1 =	vadd.f32 v60, v1  }
0x161: {  	v2 =	vadd.f32 v61, v2  }
0x162: {  	v1 =	vadd.f32 v62, v1  }
0x163: {  	v2 =	vadd.f32 v63, v2  }
0x164: {  	s0 =	sshll.u32 s0, $0xB;
	v1 =	vmul.f32 v0, v1  }
0x165: {  	s20 =	sadd.s32 $0x1, s20;
	s0 =	sadd.s32 s12, s0;
	v0 =	vmul.f32 v0, v2  }
0x166: {  	p0 =	sne.s32 s20, $0x1A;
	s0 =	sshrl.u32 s0, $0x3;
	[tilespmem:s8+$0x0] =	vst v1  }
.Ltmp2:
0x167: {  	s0 =	sadd.s32 s4, s0;
	[tilespmem:s8+$0xFFFFFFF0] =	vst v0;
	(pc) =	sbr.rel @p0 .LBB2_2-.Ltmp2, $4  }
0x168: {  	[hbm4b:s0+s5] =	stream.linear.scatter [tilespmem:s30], [sflag:$0x5], $0x800, $0x38;
	[tilespmem:$0x15300] =	vst v63  }
0x169: {  	_ =	swait.ge [sflag:s17], $0x800  }
0x16a: {  	[sflag:s17] =	ssyncset.done $0x0  }
0x16b: {  	[sflag:s17] =	ssyncadd.s32 $0xFFFFF800  }
0x16c: {  	_ =	swait.ge [sflag:s23], $0xA000  }
0x16d: {  	[sflag:s23] =	ssyncset.done $0x0  }
0x16e: {  	[sflag:s23] =	ssyncadd.s32 $0xFFFF6000  }
0x16f: {  	_ =	swait.ge [sflag:s18], $0x500  }
0x170: {  	s2 =	rddreg [dreg:$0x9]  }
0x171: {  	s0 =	rddreg [dreg:$0x8];
	s2 =	sadd.s32 $0x1, s2  }
0x172: {  	p0 =	sne.s32 s2, s0  }
.Ltmp3:
0x173: {  	_ = 	snop;
	(pc) =	sbr.rel @p0 .LBB2_1-.Ltmp3, $3  }
0x174: {  	_ =	sdelay $0x1  }
0x175: {  	[sflag:s18] =	ssyncset.done $0x0  }
0x176: {  	[sflag:s18] =	ssyncadd.s32 $0xFFFFFB00  }
0x177: {  	_ =	sfence.sel $0x180000  }
0x178: {  	[bflag:$0x0] =	sbarrier.arrive $0xFFFF  }
0x179: {  	_ =	strace $0x90000047  }
0x17a: {  	s0 =	stileid.u32;
	[bflag:$0x2] =	sbarrier.arrive $0xFFFF  }
0x17b: {  	p0 =	sne.s32 s0, $0x0;
	s0 =	rddreg [dreg:$0x4]  }
0x17c: {  	s0 =	sadd.s32 @!p0 $0x100000, s0  }
0x17d: {  	[sflag:s0] =	ssyncadd.tile.s32 @!p0 $0x1;
	_ =	shalt  }
.Lfunc_end2:
_tile_overlayer_lowered:
.L_overlay_start_2:
0x17e: {  	(tag) =	ssettag $0x2  }
0x17f: {  	s0 =	rddreg [dreg:$0x0];
	s2 =	stileid.u32  }
0x180: {  	s1 =	rddreg [dreg:$0x1];
	p0 =	sne.s32 s2, $0x0  }
0x181: {  	s3 =	rddreg [dreg:$0x2];
	[bflag:$0x3] =	sbarrier.arrive $0xFFFF;
	s2 =	simm.s32 @!p0 $0x1C05  }
0x182: {  	[timem:s3], [sflag:s2] =	dma.local @!p0 [hbm:s0], s1  }
0x183: {  	s0 =	simm.s32 @!p0 $0x5  }
0x184: {  	_ =	swait.ge @!p0 [sflag:s0], s1  }
0x185: {  	s1 =	ssub.s32 @!p0 $0x0, s1;
	[sflag:s0] =	ssyncset.done @!p0 $0x0  }
0x186: {  	[sflag:s0] =	ssyncadd.s32 @!p0 s1  }
0x187: {  	[bflag:$0x3] =	sbarrier.arrive $0xFFFF  }
0x188: {  	_ =	shalt  }

</sc_bundles>
